<compile_context>
chip_gen: v7x
topology: tpu7x:2x2x1
jax: 0.10.2.dev20260603
libtpu: 0.0.44.dev20260713+nightly
codegen_flags: <defaults>
</compile_context>

<pallas_src>
import functools

import jax
import jax.numpy as jnp
from jax import lax
from jax.experimental import pallas as pl
from jax.experimental.pallas import tpu as pltpu
from jax.experimental.pallas import tpu_sc as plsc

_N = 10000
_D = 128
_H = 128
_FF = 256
_G = 100
_DEPTH = 3

_NC = 2
_NS = 16
_NW = _NC * _NS
_K = 128
_ACC = 10240
_RPT = _ACC // _NS

_GP = 128
_B = 1000
_NB = _N // _B


def _sc_edge_segsum(h, src3, dst3, zeros):
    C = src3.shape[1]
    IG = 16
    NG = C // IG
    mesh = plsc.VectorSubcoreMesh(core_axis_name="c", subcore_axis_name="s")

    @functools.partial(
        pl.kernel,
        mesh=mesh,
        out_type=jax.ShapeDtypeStruct((_NC, _ACC, _H), jnp.float32),
        scratch_types=[
            pltpu.VMEM((IG, _K), jnp.int32),
            pltpu.VMEM((IG, _K), jnp.int32),
            pltpu.VMEM((_K, _H), jnp.float32),
            pltpu.VMEM((_K, _H), jnp.float32),
            pltpu.VMEM_SHARED((_ACC, _H), jnp.float32),
            pltpu.SemaphoreType.DMA,
            pltpu.SemaphoreType.DMA,
        ],
    )
    def k(h_hbm, src_hbm, dst_hbm, z_hbm, out_hbm,
          src_v, dst_v, buf0, buf1, acc, sem0, sem1):
        c = lax.axis_index("c")
        s = lax.axis_index("s")
        t = s * _NC + c
        base = s * _RPT
        pltpu.sync_copy(z_hbm.at[pl.ds(base, _RPT)], acc.at[pl.ds(base, _RPT)])
        plsc.subcore_barrier()

        def group(g, carry):
            pltpu.sync_copy(src_hbm.at[t, pl.ds(g * IG, IG)], src_v)
            pltpu.sync_copy(dst_hbm.at[t, pl.ds(g * IG, IG)], dst_v)
            pltpu.async_copy(h_hbm.at[src_v.at[0]], buf0, sem0)

            def body(i, carry2):
                j0 = 2 * i
                pltpu.async_copy(h_hbm.at[src_v.at[j0 + 1]], buf1, sem1)
                pltpu.make_async_copy(h_hbm.at[src_v.at[j0]], buf0, sem0).wait()
                pltpu.sync_copy(buf0, acc.at[dst_v.at[j0]], add=True)

                @pl.when(j0 + 2 < IG)
                def _():
                    pltpu.async_copy(h_hbm.at[src_v.at[j0 + 2]], buf0, sem0)

                pltpu.make_async_copy(h_hbm.at[src_v.at[j0 + 1]], buf1, sem1).wait()
                pltpu.sync_copy(buf1, acc.at[dst_v.at[j0 + 1]], add=True)
                return carry2

            lax.fori_loop(0, IG // 2, body, 0)
            return carry

        lax.fori_loop(0, NG, group, 0)
        plsc.subcore_barrier()
        pltpu.sync_copy(acc.at[pl.ds(base, _RPT)],
                        out_hbm.at[c, pl.ds(base, _RPT)])

    return k(h, src3, dst3, zeros)


def _tc_h0(x, W_i):
    def k(x_ref, w_ref, o_ref):
        o_ref[...] = jnp.maximum(
            jnp.dot(x_ref[...], w_ref[...], preferred_element_type=jnp.float32),
            0.0)

    return pl.pallas_call(
        k,
        grid=(_NB,),
        in_specs=[pl.BlockSpec((_B, _D), lambda i: (i, 0)),
                  pl.BlockSpec((_D, _H), lambda i: (0, 0))],
        out_specs=pl.BlockSpec((_B, _H), lambda i: (i, 0)),
        out_shape=jax.ShapeDtypeStruct((_N, _H), jnp.float32),
    )(x, W_i)


def _tc_update(p, h0, W_h):
    def k(p_ref, h0_ref, w_ref, o_ref):
        agg = p_ref[0] + p_ref[1]
        o_ref[...] = jnp.maximum(
            h0_ref[...]
            + jnp.dot(agg, w_ref[...], preferred_element_type=jnp.float32),
            0.0)

    return pl.pallas_call(
        k,
        grid=(_NB,),
        in_specs=[pl.BlockSpec((_NC, _B, _H), lambda i: (0, i, 0)),
                  pl.BlockSpec((_B, _H), lambda i: (i, 0)),
                  pl.BlockSpec((_H, _H), lambda i: (0, 0))],
        out_specs=pl.BlockSpec((_B, _H), lambda i: (i, 0)),
        out_shape=jax.ShapeDtypeStruct((_N, _H), jnp.float32),
    )(p, h0, W_h)


def _tc_final(p, h0, x, gid3, W_h, Wo_x, Wo_h, F1_w, f1b, F2_w, f2b,
              F3_w, f3b):

    def k(p_ref, h0_ref, x_ref, gid_ref, wh_ref, wox_ref, woh_ref,
          f1w_ref, f1b_ref, f2w_ref, f2b_ref, f3w_ref, f3b_ref,
          o_ref, acc_ref, cnt_ref):
        i = pl.program_id(0)

        @pl.when(i == 0)
        def _():
            acc_ref[...] = jnp.zeros_like(acc_ref)
            cnt_ref[...] = jnp.zeros_like(cnt_ref)

        agg = p_ref[0] + p_ref[1]
        h = jnp.maximum(
            h0_ref[...]
            + jnp.dot(agg, wh_ref[...], preferred_element_type=jnp.float32),
            0.0)
        ha = jnp.maximum(
            jnp.dot(x_ref[...], wox_ref[...], preferred_element_type=jnp.float32)
            + jnp.dot(h, woh_ref[...], preferred_element_type=jnp.float32),
            0.0)
        gid = gid_ref[0, 0, :]
        onehot = (gid[:, None]
                  == lax.broadcasted_iota(jnp.int32, (_B, _GP), 1)
                  ).astype(jnp.float32)
        acc_ref[...] += lax.dot_general(
            onehot, ha, (((0,), (0,)), ((), ())),
            preferred_element_type=jnp.float32)
        cnt_ref[...] += lax.dot_general(
            onehot, jnp.ones((_B, 1), jnp.float32), (((0,), (0,)), ((), ())),
            preferred_element_type=jnp.float32)

        @pl.when(i == _NB - 1)
        def _():
            pooled = acc_ref[...] / jnp.maximum(cnt_ref[...], 1.0)
            z = jnp.maximum(
                jnp.dot(pooled, f1w_ref[...],
                        preferred_element_type=jnp.float32) + f1b_ref[...],
                0.0)
            z = jnp.maximum(
                jnp.dot(z, f2w_ref[...],
                        preferred_element_type=jnp.float32) + f2b_ref[...],
                0.0)
            o_ref[...] = jnp.dot(
                z, f3w_ref[...], preferred_element_type=jnp.float32
            ) + f3b_ref[...]

    return pl.pallas_call(
        k,
        grid=(_NB,),
        in_specs=[
            pl.BlockSpec((_NC, _B, _H), lambda i: (0, i, 0)),
            pl.BlockSpec((_B, _H), lambda i: (i, 0)),
            pl.BlockSpec((_B, _D), lambda i: (i, 0)),
            pl.BlockSpec((1, 1, _B), lambda i: (i, 0, 0)),
            pl.BlockSpec((_H, _H), lambda i: (0, 0)),
            pl.BlockSpec((_D, _H), lambda i: (0, 0)),
            pl.BlockSpec((_H, _H), lambda i: (0, 0)),
            pl.BlockSpec((_H, _FF), lambda i: (0, 0)),
            pl.BlockSpec((1, _FF), lambda i: (0, 0)),
            pl.BlockSpec((_FF, _FF), lambda i: (0, 0)),
            pl.BlockSpec((1, _FF), lambda i: (0, 0)),
            pl.BlockSpec((_FF, 1), lambda i: (0, 0)),
            pl.BlockSpec((1, 1), lambda i: (0, 0)),
        ],
        out_specs=pl.BlockSpec((_GP, 1), lambda i: (0, 0)),
        out_shape=jax.ShapeDtypeStruct((_GP, 1), jnp.float32),
        scratch_shapes=[pltpu.VMEM((_GP, _H), jnp.float32),
                        pltpu.VMEM((_GP, 1), jnp.float32)],
    )(p, h0, x, gid3, W_h, Wo_x, Wo_h, F1_w, f1b, F2_w, f2b, F3_w, f3b)


def kernel(x, edge_index, graph_ids, W_i, W_h, W_o,
           F1_w, F1_b, F2_w, F2_b, F3_w, F3_b):
    src = edge_index[0]
    dst = edge_index[1]
    E = src.shape[0]

    C = -(-E // (_NW * _K))
    C += C % 2
    E_pad = _NW * C * _K
    pad = E_pad - E
    src_p = jnp.concatenate([src, jnp.zeros((pad,), jnp.int32)])
    dump = _N + (jnp.arange(pad, dtype=jnp.int32) % (_ACC - _N))
    dst_p = jnp.concatenate([dst, dump])
    src3 = src_p.reshape(_NW, C, _K)
    dst3 = dst_p.reshape(_NW, C, _K)
    zeros = jnp.zeros((_ACC, _H), jnp.float32)
    gid3 = graph_ids.reshape(_NB, 1, _B)

    h0 = _tc_h0(x, W_i)
    h = h0
    for _ in range(_DEPTH - 2):
        p = _sc_edge_segsum(h, src3, dst3, zeros)
        h = _tc_update(p, h0, W_h)
    p = _sc_edge_segsum(h, src3, dst3, zeros)
    out = _tc_final(p, h0, x, gid3, W_h,
                    W_o[:_D], W_o[_D:], F1_w, F1_b.reshape(1, _FF),
                    F2_w, F2_b.reshape(1, _FF), F3_w, F3_b.reshape(1, 1))
    return out[:_G]

# --- scband reference (transcript-rebuilt; emitter-appended) ---
"""Pipeline reference for scband-main-model-26456998543590 (READ-ONLY COPY).

The authoritative reference and input builder live on the scoring server;
editing this copy changes nothing except your own understanding.
"""

import jax, jax.numpy as jnp
import numpy as np

N = 10000      # total atoms across batch of molecules
E = 320000     # directed bonds (edges)
D = 128        # atom feature dim
H = 128        # hidden_size
FF = 256       # ffn_hidden_size
G = 100        # number of molecules (graphs) in the batch
DEPTH = 3      # message passing depth


def setup_inputs(seed: int = 0) -> dict:
    key = jax.random.key(seed)
    ks = jax.random.split(key, 12)
    x = jax.random.normal(ks[0], (N, D), dtype=jnp.float32)
    edge_index = jax.random.randint(ks[1], (2, E), 0, N, dtype=jnp.int32)
    graph_ids = jnp.sort(jax.random.randint(ks[2], (N,), 0, G, dtype=jnp.int32))
    s = 0.05
    W_i = jax.random.normal(ks[3], (D, H), dtype=jnp.float32) * s
    W_h = jax.random.normal(ks[4], (H, H), dtype=jnp.float32) * s
    W_o = jax.random.normal(ks[5], (D + H, H), dtype=jnp.float32) * s
    F1_w = jax.random.normal(ks[6], (H, FF), dtype=jnp.float32) * s
    F1_b = jnp.zeros((FF,), dtype=jnp.float32)
    F2_w = jax.random.normal(ks[7], (FF, FF), dtype=jnp.float32) * s
    F2_b = jnp.zeros((FF,), dtype=jnp.float32)
    F3_w = jax.random.normal(ks[8], (FF, 1), dtype=jnp.float32) * s
    F3_b = jnp.zeros((1,), dtype=jnp.float32)
    return {"x": x, "edge_index": edge_index, "graph_ids": graph_ids,
            "W_i": W_i, "W_h": W_h, "W_o": W_o,
            "F1_w": F1_w, "F1_b": F1_b, "F2_w": F2_w, "F2_b": F2_b,
            "F3_w": F3_w, "F3_b": F3_b}


def reference(x, edge_index, graph_ids, W_i, W_h, W_o,
              F1_w, F1_b, F2_w, F2_b, F3_w, F3_b):
    # ChemProp-style MPN encoder (node-message variant) + mean graph pooling + FFN readout
    src = edge_index[0]
    dst = edge_index[1]
    h0 = jax.nn.relu(x @ W_i)                       # input projection
    h = h0
    for _ in range(DEPTH - 1):
        msgs = h[src]                               # gather messages from source atoms
        agg = jax.ops.segment_sum(msgs, dst, num_segments=N)  # scatter-add to dst atoms
        h = jax.nn.relu(h0 + agg @ W_h)             # residual message update
    h_atom = jax.nn.relu(jnp.concatenate([x, h], axis=1) @ W_o)  # atom readout (W_o on cat(f_atoms, m))
    # mean aggregation per molecule
    counts = jax.ops.segment_sum(jnp.ones((N,), dtype=jnp.float32), graph_ids, num_segments=G)
    pooled = jax.ops.segment_sum(h_atom, graph_ids, num_segments=G) / jnp.maximum(counts, 1.0)[:, None]
    # FFN readout: Linear -> ReLU -> Linear -> ReLU -> Linear
    z = jax.nn.relu(pooled @ F1_w + F1_b)
    z = jax.nn.relu(z @ F2_w + F2_b)
    out = z @ F3_w + F3_b
    return out

if __name__ == "__main__":
    import jax
    _d = setup_inputs()
    print(jax.jit(kernel)(*tuple(_d.values())))

</pallas_src>

<mosaic_0001>
#map = affine_map<(d0, d1) -> (0, 0)>
#map1 = affine_map<(d0, d1) -> (0, 0, 0)>
module attributes {stable_mosaic.version = 14 : i64} {
  func.func @k(%arg0: i32, %arg1: i32, %arg2: memref<10000x128xf32, #tpu.memory_space<hbm>>, %arg3: memref<32x80x128xi32, #tpu.memory_space<hbm>>, %arg4: memref<32x80x128xi32, #tpu.memory_space<hbm>>, %arg5: memref<10240x128xf32, #tpu.memory_space<hbm>>, %arg6: memref<2x10240x128xf32, #tpu.memory_space<hbm>>, %arg7: memref<16x128xi32, #tpu.memory_space<vmem>>, %arg8: memref<16x128xi32, #tpu.memory_space<vmem>>, %arg9: memref<128x128xf32, #tpu.memory_space<vmem>>, %arg10: memref<128x128xf32, #tpu.memory_space<vmem>>, %arg11: memref<10240x128xf32, #tpu.memory_space<vmem_shared>>, %arg12: memref<!tpu.dma_semaphore, #tpu.memory_space<semaphore_mem>>, %arg13: memref<!tpu.dma_semaphore, #tpu.memory_space<semaphore_mem>>) attributes {dimension_semantics = [#tpu.dimension_semantics<core_parallel>, #tpu.dimension_semantics<subcore_parallel>], iteration_bounds = array<i64: 2, 16>, scalar_prefetch = 0 : i64, scratch_operands = 7 : i64, tpu.core_type = #tpu.core_type<sc_vector_subcore>, window_params = [{transform_indices = #map}, {transform_indices = #map1}, {transform_indices = #map1}, {transform_indices = #map}, {transform_indices = #map1}]} {
    %mul3A = arith.constant 2 : i32
    %mul3A_0 = arith.muli %arg1, %mul3A : i32
    %add3A = arith.addi %mul3A_0, %arg0 : i32
    %mul3A_1 = arith.constant 640 : i32
    %mul3A_2 = arith.muli %arg1, %mul3A_1 : i32
    "tpu.region"() ({
      %run_scoped3A = tpu.sem_alloc : memref<!tpu.dma_semaphore, #tpu.memory_space<semaphore_mem>>
      %dma_start3A = arith.constant 0 : i32
      %dma_start3A_9 = tpu.memref_slice %arg11[%mul3A_2, %dma_start3A] : memref<10240x128xf32, #tpu.memory_space<vmem_shared>> -> memref<640x128xf32, #tpu.memory_space<vmem_shared>>
      %dma_start3A_10 = arith.constant 0 : i32
      %dma_start3A_11 = tpu.memref_slice %arg5[%mul3A_2, %dma_start3A_10] : memref<10240x128xf32, #tpu.memory_space<hbm>> -> memref<640x128xf32, #tpu.memory_space<hbm>>
      tpu.enqueue_dma source(%dma_start3A_11 : memref<640x128xf32, #tpu.memory_space<hbm>>) target(%dma_start3A_9 : memref<640x128xf32, #tpu.memory_space<vmem_shared>>) target_semaphore(%run_scoped3A : memref<!tpu.dma_semaphore, #tpu.memory_space<semaphore_mem>>)
      %dma_wait3A = arith.constant 0 : i32
      %dma_wait3A_12 = tpu.memref_slice %arg11[%mul3A_2, %dma_wait3A] : memref<10240x128xf32, #tpu.memory_space<vmem_shared>> -> memref<640x128xf32, #tpu.memory_space<vmem_shared>>
      %dma_wait3A_13 = arith.constant 0 : i32
      %dma_wait3A_14 = tpu.memref_slice %arg5[%mul3A_2, %dma_wait3A_13] : memref<10240x128xf32, #tpu.memory_space<hbm>> -> memref<640x128xf32, #tpu.memory_space<hbm>>
      tpu.wait_dma2 semaphore(%run_scoped3A : memref<!tpu.dma_semaphore, #tpu.memory_space<semaphore_mem>>) src(%dma_wait3A_14 : memref<640x128xf32, #tpu.memory_space<hbm>>) dst(%dma_wait3A_12 : memref<640x128xf32, #tpu.memory_space<vmem_shared>>)
      tpu.yield
    }) : () -> ()
    %barrier3A = arith.constant 0 : index
    tpu.barrier barrier_id(%barrier3A)
    %scan3A = arith.constant 0 : i32
    %scan3A_3 = arith.constant 0 : i32
    %scan3A_4 = arith.constant 5 : i32
    %scan3A_5 = arith.addi %scan3A_3, %scan3A_4 : i32
    %scan3A_6 = arith.constant 1 : i32
    scf.for %scan3A_9 = %scan3A_3 to %scan3A_5 step %scan3A_6  : i32 {
      %mul3A_10 = arith.constant 16 : i32
      %mul3A_11 = arith.muli %scan3A_9, %mul3A_10 : i32
      "tpu.region"() ({
        %run_scoped3A = tpu.sem_alloc : memref<!tpu.dma_semaphore, #tpu.memory_space<semaphore_mem>>
        %dma_start3A_26 = arith.constant 0 : i32
        %dma_start3A_27 = tpu.memref_slice %arg3[%add3A, %mul3A_11, %dma_start3A_26] : memref<32x80x128xi32, #tpu.memory_space<hbm>> -> memref<1x16x128xi32, #tpu.memory_space<hbm>>
        %dma_start3A_28 = tpu.memref_squeeze %dma_start3A_27 : memref<1x16x128xi32, #tpu.memory_space<hbm>> -> memref<16x128xi32, #tpu.memory_space<hbm>>
        %dma_start3A_29 = arith.constant 0 : i32
        %dma_start3A_30 = tpu.memref_slice %arg3[%add3A, %mul3A_11, %dma_start3A_29] : memref<32x80x128xi32, #tpu.memory_space<hbm>> -> memref<1x16x128xi32, #tpu.memory_space<hbm>>
        %dma_start3A_31 = tpu.memref_squeeze %dma_start3A_30 : memref<1x16x128xi32, #tpu.memory_space<hbm>> -> memref<16x128xi32, #tpu.memory_space<hbm>>
        tpu.enqueue_dma source(%dma_start3A_31 : memref<16x128xi32, #tpu.memory_space<hbm>>) target(%arg7 : memref<16x128xi32, #tpu.memory_space<vmem>>) target_semaphore(%run_scoped3A : memref<!tpu.dma_semaphore, #tpu.memory_space<semaphore_mem>>)
        %dma_wait3A = arith.constant 0 : i32
        %dma_wait3A_32 = tpu.memref_slice %arg3[%add3A, %mul3A_11, %dma_wait3A] : memref<32x80x128xi32, #tpu.memory_space<hbm>> -> memref<1x16x128xi32, #tpu.memory_space<hbm>>
        %dma_wait3A_33 = tpu.memref_squeeze %dma_wait3A_32 : memref<1x16x128xi32, #tpu.memory_space<hbm>> -> memref<16x128xi32, #tpu.memory_space<hbm>>
        %dma_wait3A_34 = arith.constant 0 : i32
        %dma_wait3A_35 = tpu.memref_slice %arg3[%add3A, %mul3A_11, %dma_wait3A_34] : memref<32x80x128xi32, #tpu.memory_space<hbm>> -> memref<1x16x128xi32, #tpu.memory_space<hbm>>
        %dma_wait3A_36 = tpu.memref_squeeze %dma_wait3A_35 : memref<1x16x128xi32, #tpu.memory_space<hbm>> -> memref<16x128xi32, #tpu.memory_space<hbm>>
        tpu.wait_dma2 semaphore(%run_scoped3A : memref<!tpu.dma_semaphore, #tpu.memory_space<semaphore_mem>>) src(%dma_wait3A_36 : memref<16x128xi32, #tpu.memory_space<hbm>>) dst(%arg7 : memref<16x128xi32, #tpu.memory_space<vmem>>)
        tpu.yield
      }) : () -> ()
      %mul3A_12 = arith.constant 16 : i32
      %mul3A_13 = arith.muli %scan3A_9, %mul3A_12 : i32
      "tpu.region"() ({
        %run_scoped3A = tpu.sem_alloc : memref<!tpu.dma_semaphore, #tpu.memory_space<semaphore_mem>>
        %dma_start3A_26 = arith.constant 0 : i32
        %dma_start3A_27 = tpu.memref_slice %arg4[%add3A, %mul3A_13, %dma_start3A_26] : memref<32x80x128xi32, #tpu.memory_space<hbm>> -> memref<1x16x128xi32, #tpu.memory_space<hbm>>
        %dma_start3A_28 = tpu.memref_squeeze %dma_start3A_27 : memref<1x16x128xi32, #tpu.memory_space<hbm>> -> memref<16x128xi32, #tpu.memory_space<hbm>>
        %dma_start3A_29 = arith.constant 0 : i32
        %dma_start3A_30 = tpu.memref_slice %arg4[%add3A, %mul3A_13, %dma_start3A_29] : memref<32x80x128xi32, #tpu.memory_space<hbm>> -> memref<1x16x128xi32, #tpu.memory_space<hbm>>
        %dma_start3A_31 = tpu.memref_squeeze %dma_start3A_30 : memref<1x16x128xi32, #tpu.memory_space<hbm>> -> memref<16x128xi32, #tpu.memory_space<hbm>>
        tpu.enqueue_dma source(%dma_start3A_31 : memref<16x128xi32, #tpu.memory_space<hbm>>) target(%arg8 : memref<16x128xi32, #tpu.memory_space<vmem>>) target_semaphore(%run_scoped3A : memref<!tpu.dma_semaphore, #tpu.memory_space<semaphore_mem>>)
        %dma_wait3A = arith.constant 0 : i32
        %dma_wait3A_32 = tpu.memref_slice %arg4[%add3A, %mul3A_13, %dma_wait3A] : memref<32x80x128xi32, #tpu.memory_space<hbm>> -> memref<1x16x128xi32, #tpu.memory_space<hbm>>
        %dma_wait3A_33 = tpu.memref_squeeze %dma_wait3A_32 : memref<1x16x128xi32, #tpu.memory_space<hbm>> -> memref<16x128xi32, #tpu.memory_space<hbm>>
        %dma_wait3A_34 = arith.constant 0 : i32
        %dma_wait3A_35 = tpu.memref_slice %arg4[%add3A, %mul3A_13, %dma_wait3A_34] : memref<32x80x128xi32, #tpu.memory_space<hbm>> -> memref<1x16x128xi32, #tpu.memory_space<hbm>>
        %dma_wait3A_36 = tpu.memref_squeeze %dma_wait3A_35 : memref<1x16x128xi32, #tpu.memory_space<hbm>> -> memref<16x128xi32, #tpu.memory_space<hbm>>
        tpu.wait_dma2 semaphore(%run_scoped3A : memref<!tpu.dma_semaphore, #tpu.memory_space<semaphore_mem>>) src(%dma_wait3A_36 : memref<16x128xi32, #tpu.memory_space<hbm>>) dst(%arg8 : memref<16x128xi32, #tpu.memory_space<vmem>>)
        tpu.yield
      }) : () -> ()
      %dma_start3A = arith.constant 0 : i32
      %dma_start3A_14 = arith.constant 0 : i32
      %dma_start3A_15 = tpu.memref_slice %arg7[%dma_start3A, %dma_start3A_14] : memref<16x128xi32, #tpu.memory_space<vmem>> -> memref<1x128xi32, #tpu.memory_space<vmem>>
      %dma_start3A_16 = tpu.memref_squeeze %dma_start3A_15 : memref<1x128xi32, #tpu.memory_space<vmem>> -> memref<128xi32, #tpu.memory_space<vmem>>
      %dma_start3A_17 = arith.constant 0 : i32
      %dma_start3A_18 = arith.constant 0 : i32
      %dma_start3A_19 = tpu.memref_slice %arg2[%dma_start3A_17, %dma_start3A_18] : memref<10000x128xf32, #tpu.memory_space<hbm>> -> memref<10000x128xf32, #tpu.memory_space<hbm>>
      tpu.enqueue_indirect_dma source(%dma_start3A_19 : memref<10000x128xf32, #tpu.memory_space<hbm>>) target(%arg9 : memref<128x128xf32, #tpu.memory_space<vmem>>) offsets(%dma_start3A_16 : memref<128xi32, #tpu.memory_space<vmem>>) semaphore(%arg12 : memref<!tpu.dma_semaphore, #tpu.memory_space<semaphore_mem>>)
      %scan3A_20 = arith.constant 0 : i32
      %scan3A_21 = arith.constant 0 : i32
      %scan3A_22 = arith.constant 8 : i32
      %scan3A_23 = arith.addi %scan3A_21, %scan3A_22 : i32
      %scan3A_24 = arith.constant 1 : i32
      scf.for %scan3A_26 = %scan3A_21 to %scan3A_23 step %scan3A_24  : i32 {
        %mul3A_27 = arith.constant 2 : i32
        %mul3A_28 = arith.muli %mul3A_27, %scan3A_26 : i32
        %add3A_29 = arith.constant 1 : i32
        %add3A_30 = arith.addi %mul3A_28, %add3A_29 : i32
        %dma_start3A_31 = arith.constant 0 : i32
        %dma_start3A_32 = tpu.memref_slice %arg7[%add3A_30, %dma_start3A_31] : memref<16x128xi32, #tpu.memory_space<vmem>> -> memref<1x128xi32, #tpu.memory_space<vmem>>
        %dma_start3A_33 = tpu.memref_squeeze %dma_start3A_32 : memref<1x128xi32, #tpu.memory_space<vmem>> -> memref<128xi32, #tpu.memory_space<vmem>>
        %dma_start3A_34 = arith.constant 0 : i32
        %dma_start3A_35 = arith.constant 0 : i32
        %dma_start3A_36 = tpu.memref_slice %arg2[%dma_start3A_34, %dma_start3A_35] : memref<10000x128xf32, #tpu.memory_space<hbm>> -> memref<10000x128xf32, #tpu.memory_space<hbm>>
        tpu.enqueue_indirect_dma source(%dma_start3A_36 : memref<10000x128xf32, #tpu.memory_space<hbm>>) target(%arg10 : memref<128x128xf32, #tpu.memory_space<vmem>>) offsets(%dma_start3A_33 : memref<128xi32, #tpu.memory_space<vmem>>) semaphore(%arg13 : memref<!tpu.dma_semaphore, #tpu.memory_space<semaphore_mem>>)
        %dma_wait3A = arith.constant 0 : i32
        %dma_wait3A_37 = tpu.memref_slice %arg7[%mul3A_28, %dma_wait3A] : memref<16x128xi32, #tpu.memory_space<vmem>> -> memref<1x128xi32, #tpu.memory_space<vmem>>
        %dma_wait3A_38 = tpu.memref_squeeze %dma_wait3A_37 : memref<1x128xi32, #tpu.memory_space<vmem>> -> memref<128xi32, #tpu.memory_space<vmem>>
        %dma_wait3A_39 = arith.constant 0 : i32
        %dma_wait3A_40 = arith.constant 0 : i32
        %dma_wait3A_41 = tpu.memref_slice %arg2[%dma_wait3A_39, %dma_wait3A_40] : memref<10000x128xf32, #tpu.memory_space<hbm>> -> memref<10000x128xf32, #tpu.memory_space<hbm>>
        tpu.wait_indirect_dma semaphore(%arg12 : memref<!tpu.dma_semaphore, #tpu.memory_space<semaphore_mem>>) src(%dma_wait3A_41 : memref<10000x128xf32, #tpu.memory_space<hbm>>) dst(%arg9 : memref<128x128xf32, #tpu.memory_space<vmem>>)
        "tpu.region"() ({
          %run_scoped3A = tpu.sem_alloc : memref<!tpu.dma_semaphore, #tpu.memory_space<semaphore_mem>>
          %dma_start3A_56 = arith.constant 0 : i32
          %dma_start3A_57 = tpu.memref_slice %arg8[%mul3A_28, %dma_start3A_56] : memref<16x128xi32, #tpu.memory_space<vmem>> -> memref<1x128xi32, #tpu.memory_space<vmem>>
          %dma_start3A_58 = tpu.memref_squeeze %dma_start3A_57 : memref<1x128xi32, #tpu.memory_space<vmem>> -> memref<128xi32, #tpu.memory_space<vmem>>
          %dma_start3A_59 = arith.constant 0 : i32
          %dma_start3A_60 = arith.constant 0 : i32
          %dma_start3A_61 = tpu.memref_slice %arg11[%dma_start3A_59, %dma_start3A_60] : memref<10240x128xf32, #tpu.memory_space<vmem_shared>> -> memref<10240x128xf32, #tpu.memory_space<vmem_shared>>
          tpu.enqueue_indirect_dma source(%arg9 : memref<128x128xf32, #tpu.memory_space<vmem>>) target(%dma_start3A_61 : memref<10240x128xf32, #tpu.memory_space<vmem_shared>>) offsets(%dma_start3A_58 : memref<128xi32, #tpu.memory_space<vmem>>) semaphore(%run_scoped3A : memref<!tpu.dma_semaphore, #tpu.memory_space<semaphore_mem>>) {add = true}
          %dma_wait3A_62 = arith.constant 0 : i32
          %dma_wait3A_63 = tpu.memref_slice %arg8[%mul3A_28, %dma_wait3A_62] : memref<16x128xi32, #tpu.memory_space<vmem>> -> memref<1x128xi32, #tpu.memory_space<vmem>>
          %dma_wait3A_64 = tpu.memref_squeeze %dma_wait3A_63 : memref<1x128xi32, #tpu.memory_space<vmem>> -> memref<128xi32, #tpu.memory_space<vmem>>
          %dma_wait3A_65 = arith.constant 0 : i32
          %dma_wait3A_66 = arith.constant 0 : i32
          %dma_wait3A_67 = tpu.memref_slice %arg11[%dma_wait3A_65, %dma_wait3A_66] : memref<10240x128xf32, #tpu.memory_space<vmem_shared>> -> memref<10240x128xf32, #tpu.memory_space<vmem_shared>>
          tpu.wait_indirect_dma semaphore(%run_scoped3A : memref<!tpu.dma_semaphore, #tpu.memory_space<semaphore_mem>>) src(%arg9 : memref<128x128xf32, #tpu.memory_space<vmem>>) dst(%dma_wait3A_67 : memref<10240x128xf32, #tpu.memory_space<vmem_shared>>)
          tpu.yield
        }) : () -> ()
        %add3A_42 = arith.constant 2 : i32
        %add3A_43 = arith.addi %mul3A_28, %add3A_42 : i32
        %lt3A = arith.constant 16 : i32
        %lt3A_44 = arith.cmpi slt, %add3A_43, %lt3A : i32
        %convert_element_type3A = arith.extui %lt3A_44 : i1 to i32
        %cond3A = arith.constant 0 : i32
        %cond3A_45 = arith.cmpi ne, %convert_element_type3A, %cond3A : i32
        scf.if %cond3A_45 {
          %add3A_56 = arith.constant 2 : i32
          %add3A_57 = arith.addi %mul3A_28, %add3A_56 : i32
          %dma_start3A_58 = arith.constant 0 : i32
          %dma_start3A_59 = tpu.memref_slice %arg7[%add3A_57, %dma_start3A_58] : memref<16x128xi32, #tpu.memory_space<vmem>> -> memref<1x128xi32, #tpu.memory_space<vmem>>
          %dma_start3A_60 = tpu.memref_squeeze %dma_start3A_59 : memref<1x128xi32, #tpu.memory_space<vmem>> -> memref<128xi32, #tpu.memory_space<vmem>>
          %dma_start3A_61 = arith.constant 0 : i32
          %dma_start3A_62 = arith.constant 0 : i32
          %dma_start3A_63 = tpu.memref_slice %arg2[%dma_start3A_61, %dma_start3A_62] : memref<10000x128xf32, #tpu.memory_space<hbm>> -> memref<10000x128xf32, #tpu.memory_space<hbm>>
          tpu.enqueue_indirect_dma source(%dma_start3A_63 : memref<10000x128xf32, #tpu.memory_space<hbm>>) target(%arg9 : memref<128x128xf32, #tpu.memory_space<vmem>>) offsets(%dma_start3A_60 : memref<128xi32, #tpu.memory_space<vmem>>) semaphore(%arg12 : memref<!tpu.dma_semaphore, #tpu.memory_space<semaphore_mem>>)
        } else {
        }
        %add3A_46 = arith.constant 1 : i32
        %add3A_47 = arith.addi %mul3A_28, %add3A_46 : i32
        %dma_wait3A_48 = arith.constant 0 : i32
        %dma_wait3A_49 = tpu.memref_slice %arg7[%add3A_47, %dma_wait3A_48] : memref<16x128xi32, #tpu.memory_space<vmem>> -> memref<1x128xi32, #tpu.memory_space<vmem>>
        %dma_wait3A_50 = tpu.memref_squeeze %dma_wait3A_49 : memref<1x128xi32, #tpu.memory_space<vmem>> -> memref<128xi32, #tpu.memory_space<vmem>>
        %dma_wait3A_51 = arith.constant 0 : i32
        %dma_wait3A_52 = arith.constant 0 : i32
        %dma_wait3A_53 = tpu.memref_slice %arg2[%dma_wait3A_51, %dma_wait3A_52] : memref<10000x128xf32, #tpu.memory_space<hbm>> -> memref<10000x128xf32, #tpu.memory_space<hbm>>
        tpu.wait_indirect_dma semaphore(%arg13 : memref<!tpu.dma_semaphore, #tpu.memory_space<semaphore_mem>>) src(%dma_wait3A_53 : memref<10000x128xf32, #tpu.memory_space<hbm>>) dst(%arg10 : memref<128x128xf32, #tpu.memory_space<vmem>>)
        %add3A_54 = arith.constant 1 : i32
        %add3A_55 = arith.addi %mul3A_28, %add3A_54 : i32
        "tpu.region"() ({
          %run_scoped3A = tpu.sem_alloc : memref<!tpu.dma_semaphore, #tpu.memory_space<semaphore_mem>>
          %dma_start3A_56 = arith.constant 0 : i32
          %dma_start3A_57 = tpu.memref_slice %arg8[%add3A_55, %dma_start3A_56] : memref<16x128xi32, #tpu.memory_space<vmem>> -> memref<1x128xi32, #tpu.memory_space<vmem>>
          %dma_start3A_58 = tpu.memref_squeeze %dma_start3A_57 : memref<1x128xi32, #tpu.memory_space<vmem>> -> memref<128xi32, #tpu.memory_space<vmem>>
          %dma_start3A_59 = arith.constant 0 : i32
          %dma_start3A_60 = arith.constant 0 : i32
          %dma_start3A_61 = tpu.memref_slice %arg11[%dma_start3A_59, %dma_start3A_60] : memref<10240x128xf32, #tpu.memory_space<vmem_shared>> -> memref<10240x128xf32, #tpu.memory_space<vmem_shared>>
          tpu.enqueue_indirect_dma source(%arg10 : memref<128x128xf32, #tpu.memory_space<vmem>>) target(%dma_start3A_61 : memref<10240x128xf32, #tpu.memory_space<vmem_shared>>) offsets(%dma_start3A_58 : memref<128xi32, #tpu.memory_space<vmem>>) semaphore(%run_scoped3A : memref<!tpu.dma_semaphore, #tpu.memory_space<semaphore_mem>>) {add = true}
          %dma_wait3A_62 = arith.constant 0 : i32
          %dma_wait3A_63 = tpu.memref_slice %arg8[%add3A_55, %dma_wait3A_62] : memref<16x128xi32, #tpu.memory_space<vmem>> -> memref<1x128xi32, #tpu.memory_space<vmem>>
          %dma_wait3A_64 = tpu.memref_squeeze %dma_wait3A_63 : memref<1x128xi32, #tpu.memory_space<vmem>> -> memref<128xi32, #tpu.memory_space<vmem>>
          %dma_wait3A_65 = arith.constant 0 : i32
          %dma_wait3A_66 = arith.constant 0 : i32
          %dma_wait3A_67 = tpu.memref_slice %arg11[%dma_wait3A_65, %dma_wait3A_66] : memref<10240x128xf32, #tpu.memory_space<vmem_shared>> -> memref<10240x128xf32, #tpu.memory_space<vmem_shared>>
          tpu.wait_indirect_dma semaphore(%run_scoped3A : memref<!tpu.dma_semaphore, #tpu.memory_space<semaphore_mem>>) src(%arg10 : memref<128x128xf32, #tpu.memory_space<vmem>>) dst(%dma_wait3A_67 : memref<10240x128xf32, #tpu.memory_space<vmem_shared>>)
          tpu.yield
        }) : () -> ()
      }
      %scan3A_25 = arith.constant 8 : i32
    }
    %scan3A_7 = arith.constant 5 : i32
    %barrier3A_8 = arith.constant 0 : index
    tpu.barrier barrier_id(%barrier3A_8)
    "tpu.region"() ({
      %run_scoped3A = tpu.sem_alloc : memref<!tpu.dma_semaphore, #tpu.memory_space<semaphore_mem>>
      %dma_start3A = arith.constant 0 : i32
      %dma_start3A_9 = tpu.memref_slice %arg6[%arg0, %mul3A_2, %dma_start3A] : memref<2x10240x128xf32, #tpu.memory_space<hbm>> -> memref<1x640x128xf32, #tpu.memory_space<hbm>>
      %dma_start3A_10 = tpu.memref_squeeze %dma_start3A_9 : memref<1x640x128xf32, #tpu.memory_space<hbm>> -> memref<640x128xf32, #tpu.memory_space<hbm>>
      %dma_start3A_11 = arith.constant 0 : i32
      %dma_start3A_12 = tpu.memref_slice %arg11[%mul3A_2, %dma_start3A_11] : memref<10240x128xf32, #tpu.memory_space<vmem_shared>> -> memref<640x128xf32, #tpu.memory_space<vmem_shared>>
      tpu.enqueue_dma source(%dma_start3A_12 : memref<640x128xf32, #tpu.memory_space<vmem_shared>>) target(%dma_start3A_10 : memref<640x128xf32, #tpu.memory_space<hbm>>) target_semaphore(%run_scoped3A : memref<!tpu.dma_semaphore, #tpu.memory_space<semaphore_mem>>)
      %dma_wait3A = arith.constant 0 : i32
      %dma_wait3A_13 = tpu.memref_slice %arg6[%arg0, %mul3A_2, %dma_wait3A] : memref<2x10240x128xf32, #tpu.memory_space<hbm>> -> memref<1x640x128xf32, #tpu.memory_space<hbm>>
      %dma_wait3A_14 = tpu.memref_squeeze %dma_wait3A_13 : memref<1x640x128xf32, #tpu.memory_space<hbm>> -> memref<640x128xf32, #tpu.memory_space<hbm>>
      %dma_wait3A_15 = arith.constant 0 : i32
      %dma_wait3A_16 = tpu.memref_slice %arg11[%mul3A_2, %dma_wait3A_15] : memref<10240x128xf32, #tpu.memory_space<vmem_shared>> -> memref<640x128xf32, #tpu.memory_space<vmem_shared>>
      tpu.wait_dma2 semaphore(%run_scoped3A : memref<!tpu.dma_semaphore, #tpu.memory_space<semaphore_mem>>) src(%dma_wait3A_16 : memref<640x128xf32, #tpu.memory_space<vmem_shared>>) dst(%dma_wait3A_14 : memref<640x128xf32, #tpu.memory_space<hbm>>)
      tpu.yield
    }) : () -> ()
    return
  }
}

#map = affine_map<(d0, d1) -> (0, 0)>
#map1 = affine_map<(d0, d1) -> (0, 0, 0)>
module attributes {stable_mosaic.version = 14 : i64} {
  func.func @k(%arg0: i32, %arg1: i32, %arg2: memref<10000x128xf32, #tpu.memory_space<hbm>>, %arg3: memref<32x80x128xi32, #tpu.memory_space<hbm>>, %arg4: memref<32x80x128xi32, #tpu.memory_space<hbm>>, %arg5: memref<10240x128xf32, #tpu.memory_space<hbm>>, %arg6: memref<2x10240x128xf32, #tpu.memory_space<hbm>>, %arg7: memref<16x128xi32, #tpu.memory_space<vmem>>, %arg8: memref<16x128xi32, #tpu.memory_space<vmem>>, %arg9: memref<128x128xf32, #tpu.memory_space<vmem>>, %arg10: memref<128x128xf32, #tpu.memory_space<vmem>>, %arg11: memref<10240x128xf32, #tpu.memory_space<vmem_shared>>, %arg12: memref<!tpu.dma_semaphore, #tpu.memory_space<semaphore_mem>>, %arg13: memref<!tpu.dma_semaphore, #tpu.memory_space<semaphore_mem>>) attributes {dimension_semantics = [#tpu.dimension_semantics<core_parallel>, #tpu.dimension_semantics<subcore_parallel>], iteration_bounds = array<i64: 2, 16>, scalar_prefetch = 0 : i64, scratch_operands = 7 : i64, tpu.core_type = #tpu.core_type<sc_vector_subcore>, window_params = [{transform_indices = #map}, {transform_indices = #map1}, {transform_indices = #map1}, {transform_indices = #map}, {transform_indices = #map1}]} {
    %mul3A = arith.constant 2 : i32
    %mul3A_0 = arith.muli %arg1, %mul3A : i32
    %add3A = arith.addi %mul3A_0, %arg0 : i32
    %mul3A_1 = arith.constant 640 : i32
    %mul3A_2 = arith.muli %arg1, %mul3A_1 : i32
    "tpu.region"() ({
      %run_scoped3A = tpu.sem_alloc : memref<!tpu.dma_semaphore, #tpu.memory_space<semaphore_mem>>
      %dma_start3A = arith.constant 0 : i32
      %dma_start3A_9 = tpu.memref_slice %arg11[%mul3A_2, %dma_start3A] : memref<10240x128xf32, #tpu.memory_space<vmem_shared>> -> memref<640x128xf32, #tpu.memory_space<vmem_shared>>
      %dma_start3A_10 = arith.constant 0 : i32
      %dma_start3A_11 = tpu.memref_slice %arg5[%mul3A_2, %dma_start3A_10] : memref<10240x128xf32, #tpu.memory_space<hbm>> -> memref<640x128xf32, #tpu.memory_space<hbm>>
      tpu.enqueue_dma source(%dma_start3A_11 : memref<640x128xf32, #tpu.memory_space<hbm>>) target(%dma_start3A_9 : memref<640x128xf32, #tpu.memory_space<vmem_shared>>) target_semaphore(%run_scoped3A : memref<!tpu.dma_semaphore, #tpu.memory_space<semaphore_mem>>)
      %dma_wait3A = arith.constant 0 : i32
      %dma_wait3A_12 = tpu.memref_slice %arg11[%mul3A_2, %dma_wait3A] : memref<10240x128xf32, #tpu.memory_space<vmem_shared>> -> memref<640x128xf32, #tpu.memory_space<vmem_shared>>
      %dma_wait3A_13 = arith.constant 0 : i32
      %dma_wait3A_14 = tpu.memref_slice %arg5[%mul3A_2, %dma_wait3A_13] : memref<10240x128xf32, #tpu.memory_space<hbm>> -> memref<640x128xf32, #tpu.memory_space<hbm>>
      tpu.wait_dma2 semaphore(%run_scoped3A : memref<!tpu.dma_semaphore, #tpu.memory_space<semaphore_mem>>) src(%dma_wait3A_14 : memref<640x128xf32, #tpu.memory_space<hbm>>) dst(%dma_wait3A_12 : memref<640x128xf32, #tpu.memory_space<vmem_shared>>)
      tpu.yield
    }) : () -> ()
    %barrier3A = arith.constant 0 : index
    tpu.barrier barrier_id(%barrier3A)
    %scan3A = arith.constant 0 : i32
    %scan3A_3 = arith.constant 0 : i32
    %scan3A_4 = arith.constant 5 : i32
    %scan3A_5 = arith.addi %scan3A_3, %scan3A_4 : i32
    %scan3A_6 = arith.constant 1 : i32
    scf.for %scan3A_9 = %scan3A_3 to %scan3A_5 step %scan3A_6  : i32 {
      %mul3A_10 = arith.constant 16 : i32
      %mul3A_11 = arith.muli %scan3A_9, %mul3A_10 : i32
      "tpu.region"() ({
        %run_scoped3A = tpu.sem_alloc : memref<!tpu.dma_semaphore, #tpu.memory_space<semaphore_mem>>
        %dma_start3A_26 = arith.constant 0 : i32
        %dma_start3A_27 = tpu.memref_slice %arg3[%add3A, %mul3A_11, %dma_start3A_26] : memref<32x80x128xi32, #tpu.memory_space<hbm>> -> memref<1x16x128xi32, #tpu.memory_space<hbm>>
        %dma_start3A_28 = tpu.memref_squeeze %dma_start3A_27 : memref<1x16x128xi32, #tpu.memory_space<hbm>> -> memref<16x128xi32, #tpu.memory_space<hbm>>
        %dma_start3A_29 = arith.constant 0 : i32
        %dma_start3A_30 = tpu.memref_slice %arg3[%add3A, %mul3A_11, %dma_start3A_29] : memref<32x80x128xi32, #tpu.memory_space<hbm>> -> memref<1x16x128xi32, #tpu.memory_space<hbm>>
        %dma_start3A_31 = tpu.memref_squeeze %dma_start3A_30 : memref<1x16x128xi32, #tpu.memory_space<hbm>> -> memref<16x128xi32, #tpu.memory_space<hbm>>
        tpu.enqueue_dma source(%dma_start3A_31 : memref<16x128xi32, #tpu.memory_space<hbm>>) target(%arg7 : memref<16x128xi32, #tpu.memory_space<vmem>>) target_semaphore(%run_scoped3A : memref<!tpu.dma_semaphore, #tpu.memory_space<semaphore_mem>>)
        %dma_wait3A = arith.constant 0 : i32
        %dma_wait3A_32 = tpu.memref_slice %arg3[%add3A, %mul3A_11, %dma_wait3A] : memref<32x80x128xi32, #tpu.memory_space<hbm>> -> memref<1x16x128xi32, #tpu.memory_space<hbm>>
        %dma_wait3A_33 = tpu.memref_squeeze %dma_wait3A_32 : memref<1x16x128xi32, #tpu.memory_space<hbm>> -> memref<16x128xi32, #tpu.memory_space<hbm>>
        %dma_wait3A_34 = arith.constant 0 : i32
        %dma_wait3A_35 = tpu.memref_slice %arg3[%add3A, %mul3A_11, %dma_wait3A_34] : memref<32x80x128xi32, #tpu.memory_space<hbm>> -> memref<1x16x128xi32, #tpu.memory_space<hbm>>
        %dma_wait3A_36 = tpu.memref_squeeze %dma_wait3A_35 : memref<1x16x128xi32, #tpu.memory_space<hbm>> -> memref<16x128xi32, #tpu.memory_space<hbm>>
        tpu.wait_dma2 semaphore(%run_scoped3A : memref<!tpu.dma_semaphore, #tpu.memory_space<semaphore_mem>>) src(%dma_wait3A_36 : memref<16x128xi32, #tpu.memory_space<hbm>>) dst(%arg7 : memref<16x128xi32, #tpu.memory_space<vmem>>)
        tpu.yield
      }) : () -> ()
      %mul3A_12 = arith.constant 16 : i32
      %mul3A_13 = arith.muli %scan3A_9, %mul3A_12 : i32
      "tpu.region"() ({
        %run_scoped3A = tpu.sem_alloc : memref<!tpu.dma_semaphore, #tpu.memory_space<semaphore_mem>>
        %dma_start3A_26 = arith.constant 0 : i32
        %dma_start3A_27 = tpu.memref_slice %arg4[%add3A, %mul3A_13, %dma_start3A_26] : memref<32x80x128xi32, #tpu.memory_space<hbm>> -> memref<1x16x128xi32, #tpu.memory_space<hbm>>
        %dma_start3A_28 = tpu.memref_squeeze %dma_start3A_27 : memref<1x16x128xi32, #tpu.memory_space<hbm>> -> memref<16x128xi32, #tpu.memory_space<hbm>>
        %dma_start3A_29 = arith.constant 0 : i32
        %dma_start3A_30 = tpu.memref_slice %arg4[%add3A, %mul3A_13, %dma_start3A_29] : memref<32x80x128xi32, #tpu.memory_space<hbm>> -> memref<1x16x128xi32, #tpu.memory_space<hbm>>
        %dma_start3A_31 = tpu.memref_squeeze %dma_start3A_30 : memref<1x16x128xi32, #tpu.memory_space<hbm>> -> memref<16x128xi32, #tpu.memory_space<hbm>>
        tpu.enqueue_dma source(%dma_start3A_31 : memref<16x128xi32, #tpu.memory_space<hbm>>) target(%arg8 : memref<16x128xi32, #tpu.memory_space<vmem>>) target_semaphore(%run_scoped3A : memref<!tpu.dma_semaphore, #tpu.memory_space<semaphore_mem>>)
        %dma_wait3A = arith.constant 0 : i32
        %dma_wait3A_32 = tpu.memref_slice %arg4[%add3A, %mul3A_13, %dma_wait3A] : memref<32x80x128xi32, #tpu.memory_space<hbm>> -> memref<1x16x128xi32, #tpu.memory_space<hbm>>
        %dma_wait3A_33 = tpu.memref_squeeze %dma_wait3A_32 : memref<1x16x128xi32, #tpu.memory_space<hbm>> -> memref<16x128xi32, #tpu.memory_space<hbm>>
        %dma_wait3A_34 = arith.constant 0 : i32
        %dma_wait3A_35 = tpu.memref_slice %arg4[%add3A, %mul3A_13, %dma_wait3A_34] : memref<32x80x128xi32, #tpu.memory_space<hbm>> -> memref<1x16x128xi32, #tpu.memory_space<hbm>>
        %dma_wait3A_36 = tpu.memref_squeeze %dma_wait3A_35 : memref<1x16x128xi32, #tpu.memory_space<hbm>> -> memref<16x128xi32, #tpu.memory_space<hbm>>
        tpu.wait_dma2 semaphore(%run_scoped3A : memref<!tpu.dma_semaphore, #tpu.memory_space<semaphore_mem>>) src(%dma_wait3A_36 : memref<16x128xi32, #tpu.memory_space<hbm>>) dst(%arg8 : memref<16x128xi32, #tpu.memory_space<vmem>>)
        tpu.yield
      }) : () -> ()
      %dma_start3A = arith.constant 0 : i32
      %dma_start3A_14 = arith.constant 0 : i32
      %dma_start3A_15 = tpu.memref_slice %arg7[%dma_start3A, %dma_start3A_14] : memref<16x128xi32, #tpu.memory_space<vmem>> -> memref<1x128xi32, #tpu.memory_space<vmem>>
      %dma_start3A_16 = tpu.memref_squeeze %dma_start3A_15 : memref<1x128xi32, #tpu.memory_space<vmem>> -> memref<128xi32, #tpu.memory_space<vmem>>
      %dma_start3A_17 = arith.constant 0 : i32
      %dma_start3A_18 = arith.constant 0 : i32
      %dma_start3A_19 = tpu.memref_slice %arg2[%dma_start3A_17, %dma_start3A_18] : memref<10000x128xf32, #tpu.memory_space<hbm>> -> memref<10000x128xf32, #tpu.memory_space<hbm>>
      tpu.enqueue_indirect_dma source(%dma_start3A_19 : memref<10000x128xf32, #tpu.memory_space<hbm>>) target(%arg9 : memref<128x128xf32, #tpu.memory_space<vmem>>) offsets(%dma_start3A_16 : memref<128xi32, #tpu.memory_space<vmem>>) semaphore(%arg12 : memref<!tpu.dma_semaphore, #tpu.memory_space<semaphore_mem>>)
      %scan3A_20 = arith.constant 0 : i32
      %scan3A_21 = arith.constant 0 : i32
      %scan3A_22 = arith.constant 8 : i32
      %scan3A_23 = arith.addi %scan3A_21, %scan3A_22 : i32
      %scan3A_24 = arith.constant 1 : i32
      scf.for %scan3A_26 = %scan3A_21 to %scan3A_23 step %scan3A_24  : i32 {
        %mul3A_27 = arith.constant 2 : i32
        %mul3A_28 = arith.muli %mul3A_27, %scan3A_26 : i32
        %add3A_29 = arith.constant 1 : i32
        %add3A_30 = arith.addi %mul3A_28, %add3A_29 : i32
        %dma_start3A_31 = arith.constant 0 : i32
        %dma_start3A_32 = tpu.memref_slice %arg7[%add3A_30, %dma_start3A_31] : memref<16x128xi32, #tpu.memory_space<vmem>> -> memref<1x128xi32, #tpu.memory_space<vmem>>
        %dma_start3A_33 = tpu.memref_squeeze %dma_start3A_32 : memref<1x128xi32, #tpu.memory_space<vmem>> -> memref<128xi32, #tpu.memory_space<vmem>>
        %dma_start3A_34 = arith.constant 0 : i32
        %dma_start3A_35 = arith.constant 0 : i32
        %dma_start3A_36 = tpu.memref_slice %arg2[%dma_start3A_34, %dma_start3A_35] : memref<10000x128xf32, #tpu.memory_space<hbm>> -> memref<10000x128xf32, #tpu.memory_space<hbm>>
        tpu.enqueue_indirect_dma source(%dma_start3A_36 : memref<10000x128xf32, #tpu.memory_space<hbm>>) target(%arg10 : memref<128x128xf32, #tpu.memory_space<vmem>>) offsets(%dma_start3A_33 : memref<128xi32, #tpu.memory_space<vmem>>) semaphore(%arg13 : memref<!tpu.dma_semaphore, #tpu.memory_space<semaphore_mem>>)
        %dma_wait3A = arith.constant 0 : i32
        %dma_wait3A_37 = tpu.memref_slice %arg7[%mul3A_28, %dma_wait3A] : memref<16x128xi32, #tpu.memory_space<vmem>> -> memref<1x128xi32, #tpu.memory_space<vmem>>
        %dma_wait3A_38 = tpu.memref_squeeze %dma_wait3A_37 : memref<1x128xi32, #tpu.memory_space<vmem>> -> memref<128xi32, #tpu.memory_space<vmem>>
        %dma_wait3A_39 = arith.constant 0 : i32
        %dma_wait3A_40 = arith.constant 0 : i32
        %dma_wait3A_41 = tpu.memref_slice %arg2[%dma_wait3A_39, %dma_wait3A_40] : memref<10000x128xf32, #tpu.memory_space<hbm>> -> memref<10000x128xf32, #tpu.memory_space<hbm>>
        tpu.wait_indirect_dma semaphore(%arg12 : memref<!tpu.dma_semaphore, #tpu.memory_space<semaphore_mem>>) src(%dma_wait3A_41 : memref<10000x128xf32, #tpu.memory_space<hbm>>) dst(%arg9 : memref<128x128xf32, #tpu.memory_space<vmem>>)
        "tpu.region"() ({
          %run_scoped3A = tpu.sem_alloc : memref<!tpu.dma_semaphore, #tpu.memory_space<semaphore_mem>>
          %dma_start3A_56 = arith.constant 0 : i32
          %dma_start3A_57 = tpu.memref_slice %arg8[%mul3A_28, %dma_start3A_56] : memref<16x128xi32, #tpu.memory_space<vmem>> -> memref<1x128xi32, #tpu.memory_space<vmem>>
          %dma_start3A_58 = tpu.memref_squeeze %dma_start3A_57 : memref<1x128xi32, #tpu.memory_space<vmem>> -> memref<128xi32, #tpu.memory_space<vmem>>
          %dma_start3A_59 = arith.constant 0 : i32
          %dma_start3A_60 = arith.constant 0 : i32
          %dma_start3A_61 = tpu.memref_slice %arg11[%dma_start3A_59, %dma_start3A_60] : memref<10240x128xf32, #tpu.memory_space<vmem_shared>> -> memref<10240x128xf32, #tpu.memory_space<vmem_shared>>
          tpu.enqueue_indirect_dma source(%arg9 : memref<128x128xf32, #tpu.memory_space<vmem>>) target(%dma_start3A_61 : memref<10240x128xf32, #tpu.memory_space<vmem_shared>>) offsets(%dma_start3A_58 : memref<128xi32, #tpu.memory_space<vmem>>) semaphore(%run_scoped3A : memref<!tpu.dma_semaphore, #tpu.memory_space<semaphore_mem>>) {add = true}
          %dma_wait3A_62 = arith.constant 0 : i32
          %dma_wait3A_63 = tpu.memref_slice %arg8[%mul3A_28, %dma_wait3A_62] : memref<16x128xi32, #tpu.memory_space<vmem>> -> memref<1x128xi32, #tpu.memory_space<vmem>>
          %dma_wait3A_64 = tpu.memref_squeeze %dma_wait3A_63 : memref<1x128xi32, #tpu.memory_space<vmem>> -> memref<128xi32, #tpu.memory_space<vmem>>
          %dma_wait3A_65 = arith.constant 0 : i32
          %dma_wait3A_66 = arith.constant 0 : i32
          %dma_wait3A_67 = tpu.memref_slice %arg11[%dma_wait3A_65, %dma_wait3A_66] : memref<10240x128xf32, #tpu.memory_space<vmem_shared>> -> memref<10240x128xf32, #tpu.memory_space<vmem_shared>>
          tpu.wait_indirect_dma semaphore(%run_scoped3A : memref<!tpu.dma_semaphore, #tpu.memory_space<semaphore_mem>>) src(%arg9 : memref<128x128xf32, #tpu.memory_space<vmem>>) dst(%dma_wait3A_67 : memref<10240x128xf32, #tpu.memory_space<vmem_shared>>)
          tpu.yield
        }) : () -> ()
        %add3A_42 = arith.constant 2 : i32
        %add3A_43 = arith.addi %mul3A_28, %add3A_42 : i32
        %lt3A = arith.constant 16 : i32
        %lt3A_44 = arith.cmpi slt, %add3A_43, %lt3A : i32
        %convert_element_type3A = arith.extui %lt3A_44 : i1 to i32
        %cond3A = arith.constant 0 : i32
        %cond3A_45 = arith.cmpi ne, %convert_element_type3A, %cond3A : i32
        scf.if %cond3A_45 {
          %add3A_56 = arith.constant 2 : i32
          %add3A_57 = arith.addi %mul3A_28, %add3A_56 : i32
          %dma_start3A_58 = arith.constant 0 : i32
          %dma_start3A_59 = tpu.memref_slice %arg7[%add3A_57, %dma_start3A_58] : memref<16x128xi32, #tpu.memory_space<vmem>> -> memref<1x128xi32, #tpu.memory_space<vmem>>
          %dma_start3A_60 = tpu.memref_squeeze %dma_start3A_59 : memref<1x128xi32, #tpu.memory_space<vmem>> -> memref<128xi32, #tpu.memory_space<vmem>>
          %dma_start3A_61 = arith.constant 0 : i32
          %dma_start3A_62 = arith.constant 0 : i32
          %dma_start3A_63 = tpu.memref_slice %arg2[%dma_start3A_61, %dma_start3A_62] : memref<10000x128xf32, #tpu.memory_space<hbm>> -> memref<10000x128xf32, #tpu.memory_space<hbm>>
          tpu.enqueue_indirect_dma source(%dma_start3A_63 : memref<10000x128xf32, #tpu.memory_space<hbm>>) target(%arg9 : memref<128x128xf32, #tpu.memory_space<vmem>>) offsets(%dma_start3A_60 : memref<128xi32, #tpu.memory_space<vmem>>) semaphore(%arg12 : memref<!tpu.dma_semaphore, #tpu.memory_space<semaphore_mem>>)
        } else {
        }
        %add3A_46 = arith.constant 1 : i32
        %add3A_47 = arith.addi %mul3A_28, %add3A_46 : i32
        %dma_wait3A_48 = arith.constant 0 : i32
        %dma_wait3A_49 = tpu.memref_slice %arg7[%add3A_47, %dma_wait3A_48] : memref<16x128xi32, #tpu.memory_space<vmem>> -> memref<1x128xi32, #tpu.memory_space<vmem>>
        %dma_wait3A_50 = tpu.memref_squeeze %dma_wait3A_49 : memref<1x128xi32, #tpu.memory_space<vmem>> -> memref<128xi32, #tpu.memory_space<vmem>>
        %dma_wait3A_51 = arith.constant 0 : i32
        %dma_wait3A_52 = arith.constant 0 : i32
        %dma_wait3A_53 = tpu.memref_slice %arg2[%dma_wait3A_51, %dma_wait3A_52] : memref<10000x128xf32, #tpu.memory_space<hbm>> -> memref<10000x128xf32, #tpu.memory_space<hbm>>
        tpu.wait_indirect_dma semaphore(%arg13 : memref<!tpu.dma_semaphore, #tpu.memory_space<semaphore_mem>>) src(%dma_wait3A_53 : memref<10000x128xf32, #tpu.memory_space<hbm>>) dst(%arg10 : memref<128x128xf32, #tpu.memory_space<vmem>>)
        %add3A_54 = arith.constant 1 : i32
        %add3A_55 = arith.addi %mul3A_28, %add3A_54 : i32
        "tpu.region"() ({
          %run_scoped3A = tpu.sem_alloc : memref<!tpu.dma_semaphore, #tpu.memory_space<semaphore_mem>>
          %dma_start3A_56 = arith.constant 0 : i32
          %dma_start3A_57 = tpu.memref_slice %arg8[%add3A_55, %dma_start3A_56] : memref<16x128xi32, #tpu.memory_space<vmem>> -> memref<1x128xi32, #tpu.memory_space<vmem>>
          %dma_start3A_58 = tpu.memref_squeeze %dma_start3A_57 : memref<1x128xi32, #tpu.memory_space<vmem>> -> memref<128xi32, #tpu.memory_space<vmem>>
          %dma_start3A_59 = arith.constant 0 : i32
          %dma_start3A_60 = arith.constant 0 : i32
          %dma_start3A_61 = tpu.memref_slice %arg11[%dma_start3A_59, %dma_start3A_60] : memref<10240x128xf32, #tpu.memory_space<vmem_shared>> -> memref<10240x128xf32, #tpu.memory_space<vmem_shared>>
          tpu.enqueue_indirect_dma source(%arg10 : memref<128x128xf32, #tpu.memory_space<vmem>>) target(%dma_start3A_61 : memref<10240x128xf32, #tpu.memory_space<vmem_shared>>) offsets(%dma_start3A_58 : memref<128xi32, #tpu.memory_space<vmem>>) semaphore(%run_scoped3A : memref<!tpu.dma_semaphore, #tpu.memory_space<semaphore_mem>>) {add = true}
          %dma_wait3A_62 = arith.constant 0 : i32
          %dma_wait3A_63 = tpu.memref_slice %arg8[%add3A_55, %dma_wait3A_62] : memref<16x128xi32, #tpu.memory_space<vmem>> -> memref<1x128xi32, #tpu.memory_space<vmem>>
          %dma_wait3A_64 = tpu.memref_squeeze %dma_wait3A_63 : memref<1x128xi32, #tpu.memory_space<vmem>> -> memref<128xi32, #tpu.memory_space<vmem>>
          %dma_wait3A_65 = arith.constant 0 : i32
          %dma_wait3A_66 = arith.constant 0 : i32
          %dma_wait3A_67 = tpu.memref_slice %arg11[%dma_wait3A_65, %dma_wait3A_66] : memref<10240x128xf32, #tpu.memory_space<vmem_shared>> -> memref<10240x128xf32, #tpu.memory_space<vmem_shared>>
          tpu.wait_indirect_dma semaphore(%run_scoped3A : memref<!tpu.dma_semaphore, #tpu.memory_space<semaphore_mem>>) src(%arg10 : memref<128x128xf32, #tpu.memory_space<vmem>>) dst(%dma_wait3A_67 : memref<10240x128xf32, #tpu.memory_space<vmem_shared>>)
          tpu.yield
        }) : () -> ()
      }
      %scan3A_25 = arith.constant 8 : i32
    }
    %scan3A_7 = arith.constant 5 : i32
    %barrier3A_8 = arith.constant 0 : index
    tpu.barrier barrier_id(%barrier3A_8)
    "tpu.region"() ({
      %run_scoped3A = tpu.sem_alloc : memref<!tpu.dma_semaphore, #tpu.memory_space<semaphore_mem>>
      %dma_start3A = arith.constant 0 : i32
      %dma_start3A_9 = tpu.memref_slice %arg6[%arg0, %mul3A_2, %dma_start3A] : memref<2x10240x128xf32, #tpu.memory_space<hbm>> -> memref<1x640x128xf32, #tpu.memory_space<hbm>>
      %dma_start3A_10 = tpu.memref_squeeze %dma_start3A_9 : memref<1x640x128xf32, #tpu.memory_space<hbm>> -> memref<640x128xf32, #tpu.memory_space<hbm>>
      %dma_start3A_11 = arith.constant 0 : i32
      %dma_start3A_12 = tpu.memref_slice %arg11[%mul3A_2, %dma_start3A_11] : memref<10240x128xf32, #tpu.memory_space<vmem_shared>> -> memref<640x128xf32, #tpu.memory_space<vmem_shared>>
      tpu.enqueue_dma source(%dma_start3A_12 : memref<640x128xf32, #tpu.memory_space<vmem_shared>>) target(%dma_start3A_10 : memref<640x128xf32, #tpu.memory_space<hbm>>) target_semaphore(%run_scoped3A : memref<!tpu.dma_semaphore, #tpu.memory_space<semaphore_mem>>)
      %dma_wait3A = arith.constant 0 : i32
      %dma_wait3A_13 = tpu.memref_slice %arg6[%arg0, %mul3A_2, %dma_wait3A] : memref<2x10240x128xf32, #tpu.memory_space<hbm>> -> memref<1x640x128xf32, #tpu.memory_space<hbm>>
      %dma_wait3A_14 = tpu.memref_squeeze %dma_wait3A_13 : memref<1x640x128xf32, #tpu.memory_space<hbm>> -> memref<640x128xf32, #tpu.memory_space<hbm>>
      %dma_wait3A_15 = arith.constant 0 : i32
      %dma_wait3A_16 = tpu.memref_slice %arg11[%mul3A_2, %dma_wait3A_15] : memref<10240x128xf32, #tpu.memory_space<vmem_shared>> -> memref<640x128xf32, #tpu.memory_space<vmem_shared>>
      tpu.wait_dma2 semaphore(%run_scoped3A : memref<!tpu.dma_semaphore, #tpu.memory_space<semaphore_mem>>) src(%dma_wait3A_16 : memref<640x128xf32, #tpu.memory_space<vmem_shared>>) dst(%dma_wait3A_14 : memref<640x128xf32, #tpu.memory_space<hbm>>)
      tpu.yield
    }) : () -> ()
    return
  }
}

module attributes {stable_mosaic.version = 14 : i64} {
  func.func @k(%arg0: i32, %arg1: memref<1000x128xf32, #tpu.memory_space<vmem>>, %arg2: memref<128x128xf32, #tpu.memory_space<vmem>>, %arg3: memref<1000x128xf32, #tpu.memory_space<vmem>>) attributes {dimension_semantics = [#tpu.dimension_semantics<arbitrary>], iteration_bounds = array<i64: 10>, scalar_prefetch = 0 : i64, scratch_operands = 0 : i64, tpu.core_type = #tpu.core_type<tc>, window_params = [{transform_indices = @transform_0, window_bounds = array<i64: 1000, 128>}, {pipeline_mode = #tpu.pipeline_mode<synchronous>, transform_indices = @transform_1, window_bounds = array<i64: 128, 128>}, {transform_indices = @transform_2, window_bounds = array<i64: 1000, 128>}]} {
    %get3A = arith.constant 0 : index
    %get3A_0 = arith.constant 0 : index
    %get3A_1 = vector.load %arg1[%get3A, %get3A_0] : memref<1000x128xf32, #tpu.memory_space<vmem>>, vector<1000x128xf32>
    %get3A_2 = arith.constant 0 : index
    %get3A_3 = arith.constant 0 : index
    %get3A_4 = vector.load %arg2[%get3A_2, %get3A_3] : memref<128x128xf32, #tpu.memory_space<vmem>>, vector<128x128xf32>
    %dot_general3A = arith.constant dense<0.000000e+00> : vector<1000x128xf32>
    %dot_general3A_5 = tpu.matmul %get3A_1, %get3A_4, %dot_general3A {dimension_numbers = #tpu.dot_dimension_numbers<[1], [0], [0], [1], [0, 0, 1, 1], [], []>, transpose_lhs_hint = false} : vector<1000x128xf32>, vector<128x128xf32>, vector<1000x128xf32> -> vector<1000x128xf32>
    %max3A = arith.constant 0.000000e+00 : f32
    %max3A_6 = vector.broadcast %max3A : f32 to vector<1000x128xf32>
    %max3A_7 = arith.maximumf %dot_general3A_5, %max3A_6 : vector<1000x128xf32>
    %swap3A = arith.constant 0 : index
    %swap3A_8 = arith.constant 0 : index
    %swap3A_9 = vector.load %arg3[%swap3A, %swap3A_8] : memref<1000x128xf32, #tpu.memory_space<vmem>>, vector<1000x128xf32>
    tpu.vector_store %arg3[%swap3A, %swap3A_8], %max3A_7 {strides = array<i32>} : memref<1000x128xf32, #tpu.memory_space<vmem>>, vector<1000x128xf32>,
    return
  }
  func.func @transform_0(%arg0: i32) -> (i32, i32) {
    %c0_i32 = arith.constant 0 : i32
    %c0_i32_0 = arith.constant 0 : i32
    return %arg0, %c0_i32 : i32, i32
  }
  func.func @transform_1(%arg0: i32) -> (i32, i32) {
    %c0_i32 = arith.constant 0 : i32
    %c0_i32_0 = arith.constant 0 : i32
    %c0_i32_1 = arith.constant 0 : i32
    return %c0_i32, %c0_i32_0 : i32, i32
  }
  func.func @transform_2(%arg0: i32) -> (i32, i32) {
    %c0_i32 = arith.constant 0 : i32
    %c0_i32_0 = arith.constant 0 : i32
    return %arg0, %c0_i32 : i32, i32
  }
}

module attributes {stable_mosaic.version = 14 : i64} {
  func.func @k(%arg0: i32, %arg1: memref<2x1000x128xf32, #tpu.memory_space<vmem>>, %arg2: memref<1000x128xf32, #tpu.memory_space<vmem>>, %arg3: memref<128x128xf32, #tpu.memory_space<vmem>>, %arg4: memref<1000x128xf32, #tpu.memory_space<vmem>>) attributes {dimension_semantics = [#tpu.dimension_semantics<arbitrary>], iteration_bounds = array<i64: 10>, scalar_prefetch = 0 : i64, scratch_operands = 0 : i64, tpu.core_type = #tpu.core_type<tc>, window_params = [{transform_indices = @transform_0, window_bounds = array<i64: 2, 1000, 128>}, {transform_indices = @transform_1, window_bounds = array<i64: 1000, 128>}, {pipeline_mode = #tpu.pipeline_mode<synchronous>, transform_indices = @transform_2, window_bounds = array<i64: 128, 128>}, {transform_indices = @transform_3, window_bounds = array<i64: 1000, 128>}]} {
    %get3A = arith.constant 0 : index
    %get3A_0 = arith.constant 0 : index
    %get3A_1 = arith.constant 0 : index
    %get3A_2 = vector.load %arg1[%get3A, %get3A_0, %get3A_1] : memref<2x1000x128xf32, #tpu.memory_space<vmem>>, vector<1x1000x128xf32>
    %get3A_3 = vector.shape_cast %get3A_2 : vector<1x1000x128xf32> to vector<1000x128xf32>
    %get3A_4 = arith.constant 1 : index
    %get3A_5 = arith.constant 0 : index
    %get3A_6 = arith.constant 0 : index
    %get3A_7 = vector.load %arg1[%get3A_4, %get3A_5, %get3A_6] : memref<2x1000x128xf32, #tpu.memory_space<vmem>>, vector<1x1000x128xf32>
    %get3A_8 = vector.shape_cast %get3A_7 : vector<1x1000x128xf32> to vector<1000x128xf32>
    %add3A = arith.addf %get3A_3, %get3A_8 : vector<1000x128xf32>
    %get3A_9 = arith.constant 0 : index
    %get3A_10 = arith.constant 0 : index
    %get3A_11 = vector.load %arg2[%get3A_9, %get3A_10] : memref<1000x128xf32, #tpu.memory_space<vmem>>, vector<1000x128xf32>
    %get3A_12 = arith.constant 0 : index
    %get3A_13 = arith.constant 0 : index
    %get3A_14 = vector.load %arg3[%get3A_12, %get3A_13] : memref<128x128xf32, #tpu.memory_space<vmem>>, vector<128x128xf32>
    %dot_general3A = arith.constant dense<0.000000e+00> : vector<1000x128xf32>
    %dot_general3A_15 = tpu.matmul %add3A, %get3A_14, %dot_general3A {dimension_numbers = #tpu.dot_dimension_numbers<[1], [0], [0], [1], [0, 0, 1, 1], [], []>, transpose_lhs_hint = false} : vector<1000x128xf32>, vector<128x128xf32>, vector<1000x128xf32> -> vector<1000x128xf32>
    %add3A_16 = arith.addf %get3A_11, %dot_general3A_15 : vector<1000x128xf32>
    %max3A = arith.constant 0.000000e+00 : f32
    %max3A_17 = vector.broadcast %max3A : f32 to vector<1000x128xf32>
    %max3A_18 = arith.maximumf %add3A_16, %max3A_17 : vector<1000x128xf32>
    %swap3A = arith.constant 0 : index
    %swap3A_19 = arith.constant 0 : index
    %swap3A_20 = vector.load %arg4[%swap3A, %swap3A_19] : memref<1000x128xf32, #tpu.memory_space<vmem>>, vector<1000x128xf32>
    tpu.vector_store %arg4[%swap3A, %swap3A_19], %max3A_18 {strides = array<i32>} : memref<1000x128xf32, #tpu.memory_space<vmem>>, vector<1000x128xf32>,
    return
  }
  func.func @transform_0(%arg0: i32) -> (i32, i32, i32) {
    %c0_i32 = arith.constant 0 : i32
    %c0_i32_0 = arith.constant 0 : i32
    %c0_i32_1 = arith.constant 0 : i32
    return %c0_i32, %arg0, %c0_i32_0 : i32, i32, i32
  }
  func.func @transform_1(%arg0: i32) -> (i32, i32) {
    %c0_i32 = arith.constant 0 : i32
    %c0_i32_0 = arith.constant 0 : i32
    return %arg0, %c0_i32 : i32, i32
  }
  func.func @transform_2(%arg0: i32) -> (i32, i32) {
    %c0_i32 = arith.constant 0 : i32
    %c0_i32_0 = arith.constant 0 : i32
    %c0_i32_1 = arith.constant 0 : i32
    return %c0_i32, %c0_i32_0 : i32, i32
  }
  func.func @transform_3(%arg0: i32) -> (i32, i32) {
    %c0_i32 = arith.constant 0 : i32
    %c0_i32_0 = arith.constant 0 : i32
    return %arg0, %c0_i32 : i32, i32
  }
}

module attributes {stable_mosaic.version = 14 : i64} {
  func.func @k(%arg0: i32, %arg1: memref<2x1000x128xf32, #tpu.memory_space<vmem>>, %arg2: memref<1000x128xf32, #tpu.memory_space<vmem>>, %arg3: memref<1000x128xf32, #tpu.memory_space<vmem>>, %arg4: memref<1x1x1000xi32, #tpu.memory_space<vmem>>, %arg5: memref<128x128xf32, #tpu.memory_space<vmem>>, %arg6: memref<128x128xf32, #tpu.memory_space<vmem>>, %arg7: memref<128x128xf32, #tpu.memory_space<vmem>>, %arg8: memref<128x256xf32, #tpu.memory_space<vmem>>, %arg9: memref<1x256xf32, #tpu.memory_space<vmem>>, %arg10: memref<256x256xf32, #tpu.memory_space<vmem>>, %arg11: memref<1x256xf32, #tpu.memory_space<vmem>>, %arg12: memref<256x1xf32, #tpu.memory_space<vmem>>, %arg13: memref<1x1xf32, #tpu.memory_space<vmem>>, %arg14: memref<128x1xf32, #tpu.memory_space<vmem>>, %arg15: memref<128x128xf32, #tpu.memory_space<vmem>>, %arg16: memref<128x1xf32, #tpu.memory_space<vmem>>) attributes {dimension_semantics = [#tpu.dimension_semantics<arbitrary>], iteration_bounds = array<i64: 10>, scalar_prefetch = 0 : i64, scratch_operands = 2 : i64, tpu.core_type = #tpu.core_type<tc>, window_params = [{transform_indices = @transform_0, window_bounds = array<i64: 2, 1000, 128>}, {transform_indices = @transform_1, window_bounds = array<i64: 1000, 128>}, {transform_indices = @transform_2, window_bounds = array<i64: 1000, 128>}, {transform_indices = @transform_3, window_bounds = array<i64: 1, 1, 1000>}, {pipeline_mode = #tpu.pipeline_mode<synchronous>, transform_indices = @transform_4, window_bounds = array<i64: 128, 128>}, {pipeline_mode = #tpu.pipeline_mode<synchronous>, transform_indices = @transform_5, window_bounds = array<i64: 128, 128>}, {pipeline_mode = #tpu.pipeline_mode<synchronous>, transform_indices = @transform_6, window_bounds = array<i64: 128, 128>}, {pipeline_mode = #tpu.pipeline_mode<synchronous>, transform_indices = @transform_7, window_bounds = array<i64: 128, 256>}, {pipeline_mode = #tpu.pipeline_mode<synchronous>, transform_indices = @transform_8, window_bounds = array<i64: 1, 256>}, {pipeline_mode = #tpu.pipeline_mode<synchronous>, transform_indices = @transform_9, window_bounds = array<i64: 256, 256>}, {pipeline_mode = #tpu.pipeline_mode<synchronous>, transform_indices = @transform_10, window_bounds = array<i64: 1, 256>}, {pipeline_mode = #tpu.pipeline_mode<synchronous>, transform_indices = @transform_11, window_bounds = array<i64: 256, 1>}, {pipeline_mode = #tpu.pipeline_mode<synchronous>, transform_indices = @transform_12, window_bounds = array<i64: 1, 1>}, {pipeline_mode = #tpu.pipeline_mode<synchronous>, transform_indices = @transform_13, window_bounds = array<i64: 128, 1>}]} {
    %eq3A = arith.constant 0 : i32
    %eq3A_0 = arith.cmpi eq, %arg0, %eq3A : i32
    %convert_element_type3A = arith.extui %eq3A_0 : i1 to i32
    %cond3A = arith.constant 0 : i32
    %cond3A_1 = arith.cmpi ne, %convert_element_type3A, %cond3A : i32
    scf.if %cond3A_1 {
      %broadcast_in_dim3A_71 = arith.constant 0.000000e+00 : f32
      %broadcast_in_dim3A_72 = vector.broadcast %broadcast_in_dim3A_71 : f32 to vector<128x128xf32>
      %swap3A_73 = arith.constant 0 : index
      %swap3A_74 = arith.constant 0 : index
      %swap3A_75 = vector.load %arg15[%swap3A_73, %swap3A_74] : memref<128x128xf32, #tpu.memory_space<vmem>>, vector<128x128xf32>
      tpu.vector_store %arg15[%swap3A_73, %swap3A_74], %broadcast_in_dim3A_72 {strides = array<i32>} : memref<128x128xf32, #tpu.memory_space<vmem>>, vector<128x128xf32>,
      %broadcast_in_dim3A_76 = arith.constant 0.000000e+00 : f32
      %broadcast_in_dim3A_77 = vector.broadcast %broadcast_in_dim3A_76 : f32 to vector<128x1xf32>
      %swap3A_78 = arith.constant 0 : index
      %swap3A_79 = arith.constant 0 : index
      %swap3A_80 = vector.load %arg16[%swap3A_78, %swap3A_79] : memref<128x1xf32, #tpu.memory_space<vmem>>, vector<128x1xf32>
      tpu.vector_store %arg16[%swap3A_78, %swap3A_79], %broadcast_in_dim3A_77 {strides = array<i32>} : memref<128x1xf32, #tpu.memory_space<vmem>>, vector<128x1xf32>,
    } else {
    }
    %get3A = arith.constant 0 : index
    %get3A_2 = arith.constant 0 : index
    %get3A_3 = arith.constant 0 : index
    %get3A_4 = vector.load %arg1[%get3A, %get3A_2, %get3A_3] : memref<2x1000x128xf32, #tpu.memory_space<vmem>>, vector<1x1000x128xf32>
    %get3A_5 = vector.shape_cast %get3A_4 : vector<1x1000x128xf32> to vector<1000x128xf32>
    %get3A_6 = arith.constant 1 : index
    %get3A_7 = arith.constant 0 : index
    %get3A_8 = arith.constant 0 : index
    %get3A_9 = vector.load %arg1[%get3A_6, %get3A_7, %get3A_8] : memref<2x1000x128xf32, #tpu.memory_space<vmem>>, vector<1x1000x128xf32>
    %get3A_10 = vector.shape_cast %get3A_9 : vector<1x1000x128xf32> to vector<1000x128xf32>
    %add3A = arith.addf %get3A_5, %get3A_10 : vector<1000x128xf32>
    %get3A_11 = arith.constant 0 : index
    %get3A_12 = arith.constant 0 : index
    %get3A_13 = vector.load %arg2[%get3A_11, %get3A_12] : memref<1000x128xf32, #tpu.memory_space<vmem>>, vector<1000x128xf32>
    %get3A_14 = arith.constant 0 : index
    %get3A_15 = arith.constant 0 : index
    %get3A_16 = vector.load %arg5[%get3A_14, %get3A_15] : memref<128x128xf32, #tpu.memory_space<vmem>>, vector<128x128xf32>
    %dot_general3A = arith.constant dense<0.000000e+00> : vector<1000x128xf32>
    %dot_general3A_17 = tpu.matmul %add3A, %get3A_16, %dot_general3A {dimension_numbers = #tpu.dot_dimension_numbers<[1], [0], [0], [1], [0, 0, 1, 1], [], []>, transpose_lhs_hint = false} : vector<1000x128xf32>, vector<128x128xf32>, vector<1000x128xf32> -> vector<1000x128xf32>
    %add3A_18 = arith.addf %get3A_13, %dot_general3A_17 : vector<1000x128xf32>
    %max3A = arith.constant 0.000000e+00 : f32
    %max3A_19 = vector.broadcast %max3A : f32 to vector<1000x128xf32>
    %max3A_20 = arith.maximumf %add3A_18, %max3A_19 : vector<1000x128xf32>
    %get3A_21 = arith.constant 0 : index
    %get3A_22 = arith.constant 0 : index
    %get3A_23 = vector.load %arg3[%get3A_21, %get3A_22] : memref<1000x128xf32, #tpu.memory_space<vmem>>, vector<1000x128xf32>
    %get3A_24 = arith.constant 0 : index
    %get3A_25 = arith.constant 0 : index
    %get3A_26 = vector.load %arg6[%get3A_24, %get3A_25] : memref<128x128xf32, #tpu.memory_space<vmem>>, vector<128x128xf32>
    %dot_general3A_27 = arith.constant dense<0.000000e+00> : vector<1000x128xf32>
    %dot_general3A_28 = tpu.matmul %get3A_23, %get3A_26, %dot_general3A_27 {dimension_numbers = #tpu.dot_dimension_numbers<[1], [0], [0], [1], [0, 0, 1, 1], [], []>, transpose_lhs_hint = false} : vector<1000x128xf32>, vector<128x128xf32>, vector<1000x128xf32> -> vector<1000x128xf32>
    %get3A_29 = arith.constant 0 : index
    %get3A_30 = arith.constant 0 : index
    %get3A_31 = vector.load %arg7[%get3A_29, %get3A_30] : memref<128x128xf32, #tpu.memory_space<vmem>>, vector<128x128xf32>
    %dot_general3A_32 = arith.constant dense<0.000000e+00> : vector<1000x128xf32>
    %dot_general3A_33 = tpu.matmul %max3A_20, %get3A_31, %dot_general3A_32 {dimension_numbers = #tpu.dot_dimension_numbers<[1], [0], [0], [1], [0, 0, 1, 1], [], []>, transpose_lhs_hint = false} : vector<1000x128xf32>, vector<128x128xf32>, vector<1000x128xf32> -> vector<1000x128xf32>
    %add3A_34 = arith.addf %dot_general3A_28, %dot_general3A_33 : vector<1000x128xf32>
    %max3A_35 = arith.constant 0.000000e+00 : f32
    %max3A_36 = vector.broadcast %max3A_35 : f32 to vector<1000x128xf32>
    %max3A_37 = arith.maximumf %add3A_34, %max3A_36 : vector<1000x128xf32>
    %get3A_38 = arith.constant 0 : index
    %get3A_39 = arith.constant 0 : index
    %get3A_40 = arith.constant 0 : index
    %get3A_41 = vector.load %arg4[%get3A_38, %get3A_39, %get3A_40] : memref<1x1x1000xi32, #tpu.memory_space<vmem>>, vector<1x1x1000xi32>
    %get3A_42 = vector.shape_cast %get3A_41 : vector<1x1x1000xi32> to vector<1000xi32>
    %broadcast_in_dim3A = vector.shape_cast %get3A_42 : vector<1000xi32> to vector<1000x1xi32>
    %iota3A = tpu.iota {dimensions = array<i32: 1>} : vector<1000x128xi32>
    %eq3A_43 = vector.broadcast %broadcast_in_dim3A : vector<1000x1xi32> to vector<1000x128xi32>
    %eq3A_44 = arith.cmpi eq, %eq3A_43, %iota3A : vector<1000x128xi32>
    %convert_element_type3A_45 = arith.extui %eq3A_44 : vector<1000x128xi1> to vector<1000x128xi32>
    %convert_element_type3A_46 = arith.sitofp %convert_element_type3A_45 : vector<1000x128xi32> to vector<1000x128xf32>
    %get3A_47 = arith.constant 0 : index
    %get3A_48 = arith.constant 0 : index
    %get3A_49 = vector.load %arg15[%get3A_47, %get3A_48] : memref<128x128xf32, #tpu.memory_space<vmem>>, vector<128x128xf32>
    %dot_general3A_50 = arith.constant dense<0.000000e+00> : vector<128x128xf32>
    %dot_general3A_51 = tpu.matmul %convert_element_type3A_46, %max3A_37, %dot_general3A_50 {dimension_numbers = #tpu.dot_dimension_numbers<[0], [0], [1], [1], [0, 1, 1, 1], [], []>, transpose_lhs_hint = false} : vector<1000x128xf32>, vector<1000x128xf32>, vector<128x128xf32> -> vector<128x128xf32>
    %add3A_52 = arith.addf %get3A_49, %dot_general3A_51 : vector<128x128xf32>
    %swap3A = arith.constant 0 : index
    %swap3A_53 = arith.constant 0 : index
    %swap3A_54 = vector.load %arg15[%swap3A, %swap3A_53] : memref<128x128xf32, #tpu.memory_space<vmem>>, vector<128x128xf32>
    tpu.vector_store %arg15[%swap3A, %swap3A_53], %add3A_52 {strides = array<i32>} : memref<128x128xf32, #tpu.memory_space<vmem>>, vector<128x128xf32>,
    %get3A_55 = arith.constant 0 : index
    %get3A_56 = arith.constant 0 : index
    %get3A_57 = vector.load %arg16[%get3A_55, %get3A_56] : memref<128x1xf32, #tpu.memory_space<vmem>>, vector<128x1xf32>
    %broadcast_in_dim3A_58 = arith.constant 1.000000e+00 : f32
    %broadcast_in_dim3A_59 = vector.broadcast %broadcast_in_dim3A_58 : f32 to vector<1000x1xf32>
    %dot_general3A_60 = arith.constant dense<0.000000e+00> : vector<128x1xf32>
    %dot_general3A_61 = tpu.matmul %convert_element_type3A_46, %broadcast_in_dim3A_59, %dot_general3A_60 {dimension_numbers = #tpu.dot_dimension_numbers<[0], [0], [1], [1], [0, 1, 1, 1], [], []>, transpose_lhs_hint = false} : vector<1000x128xf32>, vector<1000x1xf32>, vector<128x1xf32> -> vector<128x1xf32>
    %add3A_62 = arith.addf %get3A_57, %dot_general3A_61 : vector<128x1xf32>
    %swap3A_63 = arith.constant 0 : index
    %swap3A_64 = arith.constant 0 : index
    %swap3A_65 = vector.load %arg16[%swap3A_63, %swap3A_64] : memref<128x1xf32, #tpu.memory_space<vmem>>, vector<128x1xf32>
    tpu.vector_store %arg16[%swap3A_63, %swap3A_64], %add3A_62 {strides = array<i32>} : memref<128x1xf32, #tpu.memory_space<vmem>>, vector<128x1xf32>,
    %eq3A_66 = arith.constant 9 : i32
    %eq3A_67 = arith.cmpi eq, %arg0, %eq3A_66 : i32
    %convert_element_type3A_68 = arith.extui %eq3A_67 : i1 to i32
    %cond3A_69 = arith.constant 0 : i32
    %cond3A_70 = arith.cmpi ne, %convert_element_type3A_68, %cond3A_69 : i32
    scf.if %cond3A_70 {
      %get3A_71 = arith.constant 0 : index
      %get3A_72 = arith.constant 0 : index
      %get3A_73 = vector.load %arg15[%get3A_71, %get3A_72] : memref<128x128xf32, #tpu.memory_space<vmem>>, vector<128x128xf32>
      %get3A_74 = arith.constant 0 : index
      %get3A_75 = arith.constant 0 : index
      %get3A_76 = vector.load %arg16[%get3A_74, %get3A_75] : memref<128x1xf32, #tpu.memory_space<vmem>>, vector<128x1xf32>
      %max3A_77 = arith.constant 1.000000e+00 : f32
      %max3A_78 = vector.broadcast %max3A_77 : f32 to vector<128x1xf32>
      %max3A_79 = arith.maximumf %get3A_76, %max3A_78 : vector<128x1xf32>
      %div3A = vector.broadcast %max3A_79 : vector<128x1xf32> to vector<128x128xf32>
      %div3A_80 = arith.divf %get3A_73, %div3A : vector<128x128xf32>
      %get3A_81 = arith.constant 0 : index
      %get3A_82 = arith.constant 0 : index
      %get3A_83 = vector.load %arg8[%get3A_81, %get3A_82] : memref<128x256xf32, #tpu.memory_space<vmem>>, vector<128x256xf32>
      %dot_general3A_84 = arith.constant dense<0.000000e+00> : vector<128x256xf32>
      %dot_general3A_85 = tpu.matmul %div3A_80, %get3A_83, %dot_general3A_84 {dimension_numbers = #tpu.dot_dimension_numbers<[1], [0], [0], [1], [0, 0, 1, 1], [], []>, transpose_lhs_hint = false} : vector<128x128xf32>, vector<128x256xf32>, vector<128x256xf32> -> vector<128x256xf32>
      %get3A_86 = arith.constant 0 : index
      %get3A_87 = arith.constant 0 : index
      %get3A_88 = vector.load %arg9[%get3A_86, %get3A_87] : memref<1x256xf32, #tpu.memory_space<vmem>>, vector<1x256xf32>
      %add3A_89 = vector.broadcast %get3A_88 : vector<1x256xf32> to vector<128x256xf32>
      %add3A_90 = arith.addf %dot_general3A_85, %add3A_89 : vector<128x256xf32>
      %max3A_91 = arith.constant 0.000000e+00 : f32
      %max3A_92 = vector.broadcast %max3A_91 : f32 to vector<128x256xf32>
      %max3A_93 = arith.maximumf %add3A_90, %max3A_92 : vector<128x256xf32>
      %get3A_94 = arith.constant 0 : index
      %get3A_95 = arith.constant 0 : index
      %get3A_96 = vector.load %arg10[%get3A_94, %get3A_95] : memref<256x256xf32, #tpu.memory_space<vmem>>, vector<256x256xf32>
      %dot_general3A_97 = arith.constant dense<0.000000e+00> : vector<128x256xf32>
      %dot_general3A_98 = tpu.matmul %max3A_93, %get3A_96, %dot_general3A_97 {dimension_numbers = #tpu.dot_dimension_numbers<[1], [0], [0], [1], [0, 0, 1, 1], [], []>, transpose_lhs_hint = false} : vector<128x256xf32>, vector<256x256xf32>, vector<128x256xf32> -> vector<128x256xf32>
      %get3A_99 = arith.constant 0 : index
      %get3A_100 = arith.constant 0 : index
      %get3A_101 = vector.load %arg11[%get3A_99, %get3A_100] : memref<1x256xf32, #tpu.memory_space<vmem>>, vector<1x256xf32>
      %add3A_102 = vector.broadcast %get3A_101 : vector<1x256xf32> to vector<128x256xf32>
      %add3A_103 = arith.addf %dot_general3A_98, %add3A_102 : vector<128x256xf32>
      %max3A_104 = arith.constant 0.000000e+00 : f32
      %max3A_105 = vector.broadcast %max3A_104 : f32 to vector<128x256xf32>
      %max3A_106 = arith.maximumf %add3A_103, %max3A_105 : vector<128x256xf32>
      %get3A_107 = arith.constant 0 : index
      %get3A_108 = arith.constant 0 : index
      %get3A_109 = vector.load %arg12[%get3A_107, %get3A_108] : memref<256x1xf32, #tpu.memory_space<vmem>>, vector<256x1xf32>
      %dot_general3A_110 = arith.constant dense<0.000000e+00> : vector<128x1xf32>
      %dot_general3A_111 = tpu.matmul %max3A_106, %get3A_109, %dot_general3A_110 {dimension_numbers = #tpu.dot_dimension_numbers<[1], [0], [0], [1], [0, 0, 1, 1], [], []>, transpose_lhs_hint = false} : vector<128x256xf32>, vector<256x1xf32>, vector<128x1xf32> -> vector<128x1xf32>
      %get3A_112 = arith.constant 0 : index
      %get3A_113 = arith.constant 0 : index
      %get3A_114 = vector.load %arg13[%get3A_112, %get3A_113] : memref<1x1xf32, #tpu.memory_space<vmem>>, vector<1x1xf32>
      %add3A_115 = vector.broadcast %get3A_114 : vector<1x1xf32> to vector<128x1xf32>
      %add3A_116 = arith.addf %dot_general3A_111, %add3A_115 : vector<128x1xf32>
      %swap3A_117 = arith.constant 0 : index
      %swap3A_118 = arith.constant 0 : index
      %swap3A_119 = vector.load %arg14[%swap3A_117, %swap3A_118] : memref<128x1xf32, #tpu.memory_space<vmem>>, vector<128x1xf32>
      tpu.vector_store %arg14[%swap3A_117, %swap3A_118], %add3A_116 {strides = array<i32>} : memref<128x1xf32, #tpu.memory_space<vmem>>, vector<128x1xf32>,
    } else {
    }
    return
  }
  func.func @transform_0(%arg0: i32) -> (i32, i32, i32) {
    %c0_i32 = arith.constant 0 : i32
    %c0_i32_0 = arith.constant 0 : i32
    %c0_i32_1 = arith.constant 0 : i32
    return %c0_i32, %arg0, %c0_i32_0 : i32, i32, i32
  }
  func.func @transform_1(%arg0: i32) -> (i32, i32) {
    %c0_i32 = arith.constant 0 : i32
    %c0_i32_0 = arith.constant 0 : i32
    return %arg0, %c0_i32 : i32, i32
  }
  func.func @transform_2(%arg0: i32) -> (i32, i32) {
    %c0_i32 = arith.constant 0 : i32
    %c0_i32_0 = arith.constant 0 : i32
    return %arg0, %c0_i32 : i32, i32
  }
  func.func @transform_3(%arg0: i32) -> (i32, i32, i32) {
    %c0_i32 = arith.constant 0 : i32
    %c0_i32_0 = arith.constant 0 : i32
    %c0_i32_1 = arith.constant 0 : i32
    return %arg0, %c0_i32, %c0_i32_0 : i32, i32, i32
  }
  func.func @transform_4(%arg0: i32) -> (i32, i32) {
    %c0_i32 = arith.constant 0 : i32
    %c0_i32_0 = arith.constant 0 : i32
    %c0_i32_1 = arith.constant 0 : i32
    return %c0_i32, %c0_i32_0 : i32, i32
  }
  func.func @transform_5(%arg0: i32) -> (i32, i32) {
    %c0_i32 = arith.constant 0 : i32
    %c0_i32_0 = arith.constant 0 : i32
    %c0_i32_1 = arith.constant 0 : i32
    return %c0_i32, %c0_i32_0 : i32, i32
  }
  func.func @transform_6(%arg0: i32) -> (i32, i32) {
    %c0_i32 = arith.constant 0 : i32
    %c0_i32_0 = arith.constant 0 : i32
    %c0_i32_1 = arith.constant 0 : i32
    return %c0_i32, %c0_i32_0 : i32, i32
  }
  func.func @transform_7(%arg0: i32) -> (i32, i32) {
    %c0_i32 = arith.constant 0 : i32
    %c0_i32_0 = arith.constant 0 : i32
    %c0_i32_1 = arith.constant 0 : i32
    return %c0_i32, %c0_i32_0 : i32, i32
  }
  func.func @transform_8(%arg0: i32) -> (i32, i32) {
    %c0_i32 = arith.constant 0 : i32
    %c0_i32_0 = arith.constant 0 : i32
    %c0_i32_1 = arith.constant 0 : i32
    return %c0_i32, %c0_i32_0 : i32, i32
  }
  func.func @transform_9(%arg0: i32) -> (i32, i32) {
    %c0_i32 = arith.constant 0 : i32
    %c0_i32_0 = arith.constant 0 : i32
    %c0_i32_1 = arith.constant 0 : i32
    return %c0_i32, %c0_i32_0 : i32, i32
  }
  func.func @transform_10(%arg0: i32) -> (i32, i32) {
    %c0_i32 = arith.constant 0 : i32
    %c0_i32_0 = arith.constant 0 : i32
    %c0_i32_1 = arith.constant 0 : i32
    return %c0_i32, %c0_i32_0 : i32, i32
  }
  func.func @transform_11(%arg0: i32) -> (i32, i32) {
    %c0_i32 = arith.constant 0 : i32
    %c0_i32_0 = arith.constant 0 : i32
    %c0_i32_1 = arith.constant 0 : i32
    return %c0_i32, %c0_i32_0 : i32, i32
  }
  func.func @transform_12(%arg0: i32) -> (i32, i32) {
    %c0_i32 = arith.constant 0 : i32
    %c0_i32_0 = arith.constant 0 : i32
    %c0_i32_1 = arith.constant 0 : i32
    return %c0_i32, %c0_i32_0 : i32, i32
  }
  func.func @transform_13(%arg0: i32) -> (i32, i32) {
    %c0_i32 = arith.constant 0 : i32
    %c0_i32_0 = arith.constant 0 : i32
    %c0_i32_1 = arith.constant 0 : i32
    return %c0_i32, %c0_i32_0 : i32, i32
  }
}

</mosaic_0001>

<sc_bundles>
// kernel: kernel.10.cloned.1.call-start
scs
__scs_entry_jumppad:
0x0: {  	(pc) =	sbr.rel $0x88, $3  }
0x1: {  	(tag) =	ssettag $0x0;
	lr =	simm.s32 $0x1  }
0x2: {  	[smem:$0x3F95] =	sst lr;
	_ =	strace $0xD0000000  }
0x3: {  	_ = 	snop  }
0x4: {  	_ = 	snop  }
0x5: {  	_ = 	snop  }
0x6: {  	_ = 	snop  }
0x7: {  	_ = 	snop  }
__scs_overlays_trampoline_lowered:
0x8: {  	[smem:$0x3FA4] =	sst s0  }
0x9: {  	[smem:$0x3FA5] =	sst s1  }
0xa: {  	[smem:$0x3FA6] =	sst s2  }
0xb: {  	[smem:$0x3FA7] =	sst s3  }
0xc: {  	[smem:$0x3FA8] =	sst s4  }
0xd: {  	[smem:$0x3FA9] =	sst s5  }
0xe: {  	[smem:$0x3FAA] =	sst s6  }
0xf: {  	[smem:$0x3FAB] =	sst s7  }
0x10: {  	[smem:$0x3FAC] =	sst s8  }
0x11: {  	[smem:$0x3FAD] =	sst s9;
	s0 =	simm.s32 @!p0 $0x0  }
0x12: {  	s1 =	sld [smem:$0x3F93];
	s0 =	simm.s32 @p0 $0x1  }
0x13: {  	[smem:$0x3FAE] =	sst s0;
	s0 =	simm.s32 @!p1 $0x0  }
0x14: {  	s2 =	sld [smem:$0x3F92];
	s0 =	simm.s32 @p1 $0x1  }
0x15: {  	[smem:$0x3FAF] =	sst s0;
	s0 =	simm.s32 @!p2 $0x0  }
0x16: {  	s3 =	sld [smem:$0x3FDB];
	s0 =	simm.s32 @p2 $0x1  }
0x17: {  	s4 =	simm.s32 $0x1BF5;
	[smem:$0x3FB1] =	sst s0  }
0x18: {  	s0 =	sld [smem:$0x3F94];
	_ =	swait.ge [sflag:s4], $0x0  }
0x19: {  	s7 =	sld [smem:$0x3F95]  }
0x1a: {  	s8 =	sadd.s32 $0xFFFFE003, lr  }
0x1b: {  	s9 =	sadd.s32 $0xFFFFFEF7, lr;
	s5 =	simm.s32 $0xFFFFFFFF;
	p2 =	slt.u32 s8, $0xFFFFF086  }
0x1c: {  	p1 =	slt.u32 s9, $0xF7A;
	s5 =	simm.s32 @!p2 $0x0  }
0x1d: {  	s5 =	simm.s32 @p1 $0x1;
	p0 =	seq.s32 s7, s2  }
0x1e: {  	s7 =	smul.u32 @!p0 $0xF7A, s2;
	p2 =	seq.s32 @!p0 s5, $0x0  }
0x1f: {  	s9 =	smul.u32 $0xF7A, s1;
	s8 =	simm.s32 @!p0 $0x1BF5;
	p2 =	por !p2, p0  }
0x20: {  	[sflag:s8] =	ssyncset.s32 @!p0 $0xFFFFF086;
	s6 =	sadd.s32 @!p0 s3, s7;
	s7 =	simm.s32 @!p0 $0x108  }
0x21: {  	s3 =	sadd.s32 s3, s9;
	s6 =	sadd.s32 @!p0 $0x88, s6;
	s7 =	simm.s32 @p2 $0x1082  }
0x22: {  	[simem:s7], [sflag:s8] =	dma.local @!p0 [hbm:s6], $0xF7A  }
0x23: {  	s9 =	sor.u32 $0xD0000000, s2;
	s6 =	simm.s32 $0x108;
	_ =	swait.ge @!p0 [sflag:s8], $0x0  }
0x24: {  	s3 =	sadd.s32 $0x88, s3;
	s6 =	simm.s32 @!p1 $0x1082;
	[sflag:s4] =	ssyncset.s32 $0xFFFFF086  }
0x25: {  	[simem:s6], [sflag:s4] =	dma.local [hbm:s3], $0xF7A  }
0x26: {  	[smem:$0x3F95] =	sst s1;
	(tag) =	ssettag s2;
	_ =	strace s9  }
0x27: {  	s1 =	sld [smem:$0x3FA5]  }
0x28: {  	s2 =	sld [smem:$0x3FA6]  }
0x29: {  	s4 =	sld [smem:$0x3FA8]  }
0x2a: {  	p0 =	seq.s32 s5, $0x0;
	s5 =	sld [smem:$0x3FA9]  }
0x2b: {  	s6 =	sld [smem:$0x3FAA]  }
0x2c: {  	s7 =	sld [smem:$0x3FAB]  }
0x2d: {  	s3 =	simm.s32 $0x108;
	s8 =	sld [smem:$0x3FAC]  }
0x2e: {  	s3 =	simm.s32 @!p0 $0x1082;
	s9 =	sld [smem:$0x3FAD]  }
0x2f: {  	lr =	sadd.s32 s0, s3;
	s0 =	sld [smem:$0x3FA4]  }
0x30: {  	s3 =	sld [smem:$0x3FA7]  }
0x31: {  	[smem:$0x3FB0] =	sst s10  }
0x32: {  	s10 =	sld [smem:$0x3FAE];
	_ =	sdelay $0x3  }
0x33: {  	p0 =	seq.s32 s10, $0x1;
	s10 =	sld [smem:$0x3FB0];
	_ =	sdelay $0x3  }
0x34: {  	[smem:$0x3FB0] =	sst s10  }
0x35: {  	s10 =	sld [smem:$0x3FAF];
	_ =	sdelay $0x3  }
0x36: {  	p1 =	seq.s32 s10, $0x1;
	s10 =	sld [smem:$0x3FB0];
	_ =	sdelay $0x3  }
0x37: {  	[smem:$0x3FB0] =	sst s10  }
0x38: {  	s10 =	sld [smem:$0x3FB1]  }
0x39: {  	_ = 	snop;
	(pc) =	sbr.ind lr, $3  }
0x3a: {  	_ = 	snop  }
0x3b: {  	_ = 	snop  }
0x3c: {  	p2 =	seq.s32 s10, $0x1;
	s10 =	sld [smem:$0x3FB0]  }
0x3d: {  	_ =	shalt  }
0x3e: {  	_ =	shalt  }
0x3f: {  	_ =	shalt  }
0x40: {  	_ =	shalt  }
0x41: {  	_ =	shalt  }
0x42: {  	_ =	shalt  }
0x43: {  	_ =	shalt  }
0x44: {  	_ =	shalt  }
0x45: {  	_ =	shalt  }
0x46: {  	_ =	shalt  }
0x47: {  	_ =	shalt  }
0x48: {  	_ =	shalt  }
0x49: {  	_ =	shalt  }
0x4a: {  	_ =	shalt  }
0x4b: {  	_ =	shalt  }
0x4c: {  	_ =	shalt  }
0x4d: {  	_ =	shalt  }
0x4e: {  	_ =	shalt  }
0x4f: {  	_ =	shalt  }
0x50: {  	_ =	shalt  }
0x51: {  	_ =	shalt  }
0x52: {  	_ =	shalt  }
0x53: {  	_ =	shalt  }
0x54: {  	_ =	shalt  }
0x55: {  	_ =	shalt  }
0x56: {  	_ =	shalt  }
0x57: {  	_ =	shalt  }
0x58: {  	_ =	shalt  }
0x59: {  	_ =	shalt  }
0x5a: {  	_ =	shalt  }
0x5b: {  	_ =	shalt  }
0x5c: {  	_ =	shalt  }
0x5d: {  	_ =	shalt  }
0x5e: {  	_ =	shalt  }
0x5f: {  	_ =	shalt  }
0x60: {  	_ =	shalt  }
0x61: {  	_ =	shalt  }
0x62: {  	_ =	shalt  }
0x63: {  	_ =	shalt  }
0x64: {  	_ =	shalt  }
0x65: {  	_ =	shalt  }
0x66: {  	_ =	shalt  }
0x67: {  	_ =	shalt  }
0x68: {  	_ =	shalt  }
0x69: {  	_ =	shalt  }
0x6a: {  	_ =	shalt  }
0x6b: {  	_ =	shalt  }
0x6c: {  	_ =	shalt  }
0x6d: {  	_ =	shalt  }
0x6e: {  	_ =	shalt  }
0x6f: {  	_ =	shalt  }
0x70: {  	_ =	shalt  }
0x71: {  	_ =	shalt  }
0x72: {  	_ =	shalt  }
0x73: {  	_ =	shalt  }
0x74: {  	_ =	shalt  }
0x75: {  	_ =	shalt  }
0x76: {  	_ =	shalt  }
0x77: {  	_ =	shalt  }
0x78: {  	_ =	shalt  }
0x79: {  	_ =	shalt  }
0x7a: {  	_ =	shalt  }
0x7b: {  	_ =	shalt  }
0x7c: {  	_ =	shalt  }
0x7d: {  	_ =	shalt  }
0x7e: {  	_ =	shalt  }
0x7f: {  	_ =	shalt  }
0x80: {  	_ =	shalt  }
0x81: {  	_ =	shalt  }
0x82: {  	_ =	shalt  }
0x83: {  	_ =	shalt  }
0x84: {  	_ =	shalt  }
0x85: {  	_ =	shalt  }
0x86: {  	_ =	shalt  }
0x87: {  	_ =	shalt  }
.Lfunc_end0:
.L_simem_size_0:
called_computation.1_lowered:
.L_overlay_start_0:
0x88: {  	s2 =	sld [smem:$0x3FD9]  }
0x89: {  	s3 =	sld [smem:$0x3FFE];
	_ =	sdelay $0x1  }
0x8a: {  	s1 =	srdreg.scid  }
0x8b: {  	s0 =	sand.u32 $0x1, s1  }
0x8c: {  	s16 =	sshll.u32 s0, $0xA;
	s2 =	sadd.s32 s3, s2  }
0x8d: {  	s2 =	sadd.s32 s2, s16  }
0x8e: {  	[smem:$0x3FBC] =	sst s2  }
0x8f: {  	_ = 	snop  }
0x90: {  	(tm) =	ssettm $0x1  }
0x91: {  	s17 =	sld [smem:$0x3FFB];
	_ =	sdelay $0x3  }
0x92: {  	_ =	strace s17  }
0x93: {  	s2 =	sld [smem:$0x3FFC];
	_ =	sdelay $0x3  }
0x94: {  	_ =	strace s2  }
0x95: {  	s2 =	sld [smem:$0x3FFD];
	_ =	sdelay $0x3  }
0x96: {  	_ =	strace s2  }
0x97: {  	_ =	strace $0x8FFFFFFF  }
0x98: {  	s18 =	sld [smem:$0x3FDB];
	_ =	sdelay $0x1  }
0x99: {  	s19 =	simm.s32 $_scs_section_size  }
0x9a: {  	s4 =	simm.s32 $_size__tile_overlayer_lowered;
	s5 =	simm.s32 $_tile_overlayer_lowered  }
0x9b: {  	s22 =	simm.s32 $0x1BFF;
	s21 =	sshll.u32 s5, $0x1;
	s2 =	sadd.s32 s19, s18  }
0x9c: {  	s6 =	simm.s32 $0x0;
	s20 =	sshll.u32 s4, $0x1;
	s4 =	sadd.s32 s21, s2  }
0x9d: {  	[timem:s6], [sflag:s22] =	dma.local [hbm:s4], s20  }
0x9e: {  	_ =	swait.ge [sflag:s22], s20  }
0x9f: {  	s3 =	ssub.s32 $0x0, s20;
	[sflag:s22] =	ssyncset.done $0x0  }
0xa0: {  	[sflag:s22] =	ssyncadd.s32 s3;
	_ =	sdelay $0x1  }
0xa1: {  	s23 =	simm.s32 $0x1B8B  }
0xa2: {  	_ =	swait.ge [sflag:s23], $0x1  }
0xa3: {  	[sflag:s23] =	ssyncset.done $0x0  }
0xa4: {  	s25 =	simm.s32 $0x1B8E;
	s24 =	sld [smem:$0x3FFE];
	[sflag:s23] =	ssyncadd.s32 $0xFFFFFFFF  }
0xa5: {  	s26 =	simm.s32 $execute0_lowered;
	[smem:$0x3FD2] =	sst s25  }
0xa6: {  	s4 =	sshll.u32 s26, $0x1;
	_ =	strace $0x80000049;
	[dreg:$0x1] =	wrdreg $0xFFFFFFFF  }
0xa7: {  	s28 =	simm.s32 $_size_execute0_lowered;
	s2 =	sadd.s32 s2, s4;
	[dreg:$0x0] =	wrdreg $0x0  }
0xa8: {  	s4 =	sshll.u32 s28, $0x1;
	[dreg:$0x2] =	wrdreg s2  }
0xa9: {  	[dreg:$0x3] =	wrdreg s4  }
0xaa: {  	[dreg:$0x4] =	wrdreg $0xC0  }
0xab: {  	_ =	task [dreg:s6], $0x5FFFF  }
0xac: {  	[dreg:$0x1] =	wrdreg $0xFFFFFFFF  }
0xad: {  	[dreg:$0x0] =	wrdreg $0x60  }
0xae: {  	[dreg:$0x2] =	wrdreg s24  }
0xaf: {  	[dreg:$0x3] =	wrdreg $0x90000  }
0xb0: {  	[dreg:$0x4] =	wrdreg $0x9  }
0xb1: {  	_ =	task.clear_ibuf [dreg:s6], $0x5FFFF;
	_ =	strace $0x90000049  }
0xb2: {  	s29 =	simm.s32 $0x9;
	_ =	strace $0x8000004B  }
0xb3: {  	_ =	swait.ge [sflag:s29], $0x1  }
0xb4: {  	[sflag:s29] =	ssyncadd.s32 $0xFFFFFFFF  }
0xb5: {  	_ =	strace $0x9000004B  }
0xb6: {  	_ =	sfence  }
0xb7: {  	s30 =	sld [smem:$0x0];
	_ =	sdelay $0x2  }
0xb8: {  	s31 =	sshll.u32 s1, $0xD;
	s1 =	sshrl.u32 s1, $0x2  }
0xb9: {  	s3 =	sand.u32 $0x4000, s31;
	s1 =	sadd.s32 s1, s30  }
0xba: {  	s0 =	sor.u32 s3, s0;
	s1 =	sshll.u32 s1, $0x11  }
0xbb: {  	s0 =	sor.u32 s1, s0  }
0xbc: {  	s0 =	sadd.s32 $0x8F2B, s0  }
0xbd: {  	[sflag:s0] =	ssyncadd.remote.s32 $0x1  }
0xbe: {  	_ =	sfence.sel $0xFFFF  }
0xbf: {  	[dreg:$0x0] =	wrdreg $0xFFFFFFFF;
	(pc) =	sbr.abs _section_cstart, $3  }
0xc0: {  	[dreg:$0x1] =	wrdreg $0xFFFFFFFF  }
0xc1: {  	_ =	task.clear_ibuf [dreg:s6], $0x2FFFF;
	_ =	strace $0x9FFFFFFF  }
0xc2: {  	(tm) =	ssettm $0x7FFFFFFF  }
0xc3: {  	_ =	shalt  }
tec
execute0_lowered:
.L_overlay_start_1:
0x0: {  	(tag) =	ssettag $0x1  }
0x1: {  	s0 =	srdreg.scid;
	s1 =	rddreg [dreg:$0x0]  }
0x2: {  	s10 =	stileid.u32;
	s2 =	rddreg [dreg:$0x1]  }
0x3: {  	s3 =	simm.s32 $0x0;
	s13 =	simm.s32 $0x100;
	s15 =	simm.s32 $0x880  }
0x4: {  	s17 =	simm.s32 $0x180;
	s18 =	simm.s32 $0x900;
	s19 =	simm.s32 $0x200  }
0x5: {  	s20 =	simm.s32 $0x980;
	s21 =	simm.s32 $0x280;
	[smem:$0x7FF] =	sst s3  }
0x6: {  	s22 =	simm.s32 $0xA00;
	_ =	strace $0x8000004A;
	[dreg:$0x5] =	wrdreg s13  }
0x7: {  	s23 =	simm.s32 $0x300;
	s24 =	simm.s32 $0xA80;
	[dreg:$0x6] =	wrdreg s15  }
0x8: {  	s28 =	simm.s32 $0x680;
	s29 =	simm.s32 $0xE00;
	[dreg:$0x7] =	wrdreg s17  }
0x9: {  	s30 =	simm.s32 $0x700;
	s4 =	smul.u32 $0x5000, s10;
	[dreg:$0x8] =	wrdreg s18  }
0xa: {  	s31 =	simm.s32 $0xE80;
	s25 =	smul.u32 $0x14000, s10;
	[dreg:$0x9] =	wrdreg s19  }
0xb: {  	s0 =	sand.u32 $0x1, s0;
	s9 =	smul.u32 $0x50000, s10;
	[dreg:$0xa] =	wrdreg s20  }
0xc: {  	s16 =	sshll.u32 s10, $0x6;
	s5 =	smul.u32 $0x2800, s0;
	[dreg:$0xb] =	wrdreg s21  }
0xd: {  	s10 =	simm.s32 $0x3;
	s7 =	smul.u32 $0x140000, s0;
	[dreg:$0xc] =	wrdreg s22  }
0xe: {  	s0 =	ssub.s32 $0x2, s0;
	[dreg:$0xd] =	wrdreg s23;
	s13 =	simm.s32 $0x1000  }
0xf: {  	[dreg:$0xe] =	wrdreg s24;
	s15 =	simm.s32 $0x1;
	s17 =	simm.s32 $0x400  }
0x10: {  	s18 =	simm.s32 $0xB80;
	s19 =	simm.s32 $0x480;
	s20 =	simm.s32 $0xC00  }
0x11: {  	s21 =	simm.s32 $0x500;
	s22 =	simm.s32 $0xC80;
	s23 =	simm.s32 $0x580  }
0x12: {  	s24 =	simm.s32 $0xD00;
	s8 =	sshrl.u32 s25, $0x3;
	s26 =	sshrl.u32 s0, $0x1  }
0x13: {  	s9 =	sshrl.u32 s9, $0x2;
	s4 =	sadd.s32 s5, s4;
	s8 =	sadd.s32 s8, s1  }
0x14: {  	s5 =	sadd.s32 s25, s7;
	s0 =	ssub.s32 s0, s26;
	s12 =	sadd.s32 s9, s2  }
0x15: {  	s25 =	simm.s32 $0x380;
	s26 =	simm.s32 $0xB00;
	s9 =	simm.s32 $0x0  }
0x16: {  	s6 =	sshrl.u32 s4, $0x3;
	s4 =	sadd.s32 $0x2600, s1;
	s5 =	sshrl.u32 s5, $0x3  }
0x17: {  	s14 =	sadd.s32 $0x3D800, s8;
	s0 =	smax.u32 s0, $0x1;
	[dreg:$0xf] =	wrdreg s25  }
0x18: {  	s8 =	sshrl.u32 s12, $0x3;
	s12 =	simm.s32 $0x80;
	[dreg:$0x10] =	wrdreg s26  }
0x19: {  	s25 =	simm.s32 $0x600;
	s26 =	simm.s32 $0xD80;
	[dreg:$0x11] =	wrdreg s14  }
0x1a: {  	s6 =	sadd.s32 s6, s1;
	s1 =	sadd.s32 s5, s1;
	[dreg:$0x14] =	wrdreg s0  }
0x1b: {  	s14 =	simm.s32 $0x5000;
	[dreg:$0x15] =	wrdreg s8;
	s7 =	sadd.s32 $0x29800, s6  }
0x1c: {  	s0 =	simm.s32 $0xF00;
	s11 =	sadd.s32 $0x33800, s6;
	[dreg:$0x3] =	wrdreg s7  }
0x1d: {  	s5 =	simm.s32 $0xF80;
	s1 =	sadd.s32 $0x65800, s1;
	[dreg:$0x4] =	wrdreg s11  }
0x1e: {  	s7 =	sor.u32 $0x1C03, s16;
	[dreg:$0x13] =	wrdreg s1;
	s11 =	simm.s32 $0x800  }
0x1f: {  	s16 =	simm.s32 $0x2;
	s1 =	simm.s32 $0x780;
	[dreg:$0x12] =	wrdreg s7  }
.LBB2_1:
0x20: {  	[dreg:$0x16] =	wrdreg s9  }
0x21: {  	s6 =	rddreg [dreg:$0x11]  }
0x22: {  	[spmem:s8], [sflag:s7] =	dma.local [hbm:s6], $0x2800  }
0x23: {  	_ =	swait.ge [sflag:s10], $0x2800  }
0x24: {  	[sflag:s10] =	ssyncset.done $0x0  }
0x25: {  	[sflag:s10] =	ssyncadd.s32 $0xFFFFD800  }
0x26: {  	[bflag:$0x0] =	sbarrier.arrive $0xFFFF  }
0x27: {  	s8 =	rddreg [dreg:$0x4]  }
0x28: {  	s6 =	sadd.s32 $0x0, s8  }
0x29: {  	[tilespmem:s3], [sflag:$0x3] =	stream.linear.gather [hbm4b:s6+s3], $0x800, $0x38;
	[tilespmem:$0x1D000] =	vst v63  }
0x2a: {  	_ =	swait.ge [sflag:s10], $0x800  }
0x2b: {  	s9 =	rddreg [dreg:$0x3];
	[sflag:s10] =	ssyncset.done $0x0  }
0x2c: {  	[sflag:s10] =	ssyncadd.s32 $0xFFFFF800;
	s6 =	sadd.s32 $0x0, s9  }
0x2d: {  	[tilespmem:s11], [sflag:$0x3] =	stream.linear.gather [hbm4b:s6+s3], $0x800, $0x38;
	[tilespmem:$0x1D000] =	vst v63  }
0x2e: {  	_ =	swait.ge [sflag:s10], $0x800  }
0x2f: {  	[sflag:s10] =	ssyncset.done $0x0  }
0x30: {  	[sflag:s10] =	ssyncadd.s32 $0xFFFFF800  }
0x31: {  	[tilespmem:s13], [sflag:$0x1] =	stream.indirect.gather [hbm4b:s4+s12], $0x80, s3, s12, $0xb8;
	[tilespmem:$0x1D000] =	vst v63  }
0x32: {  	_ = 	snop  }
0x33: {  	[tilespmem:s14], [sflag:$0x2] =	stream.indirect.gather [hbm4b:s4+s12], $0x80, s12, s12, $0xb8;
	[tilespmem:$0x1D000] =	vst v63  }
0x34: {  	_ =	swait.ge [sflag:s15], $0x4000  }
0x35: {  	[sflag:s15] =	ssyncset.done $0x0  }
0x36: {  	[sflag:s15] =	ssyncadd.s32 $0xFFFFC000  }
0x37: {  	[spmem:s2] =	stream.indirect.scatter.add.f32 [tilespmem:s13], [sflag:$0x3], $0x80, s11, s12, $0xb8;
	[tilespmem:$0x1D000] =	vst v63  }
0x38: {  	_ =	swait.ge [sflag:s10], $0x4000  }
0x39: {  	[sflag:s10] =	ssyncset.done $0x0  }
0x3a: {  	s7 =	rddreg [dreg:$0x5];
	[sflag:s10] =	ssyncadd.s32 $0xFFFFC000  }
0x3b: {  	[tilespmem:s13], [sflag:$0x1] =	stream.indirect.gather [hbm4b:s4+s12], $0x80, s7, s12, $0xb8;
	[tilespmem:$0x1D000] =	vst v63  }
0x3c: {  	_ =	swait.ge [sflag:s16], $0x4000  }
0x3d: {  	[sflag:s16] =	ssyncset.done $0x0  }
0x3e: {  	s8 =	rddreg [dreg:$0x6];
	[sflag:s16] =	ssyncadd.s32 $0xFFFFC000  }
0x3f: {  	[spmem:s2] =	stream.indirect.scatter.add.f32 [tilespmem:s14], [sflag:$0x3], $0x80, s8, s12, $0xb8;
	[tilespmem:$0x1D000] =	vst v63  }
0x40: {  	_ =	swait.ge [sflag:s10], $0x4000  }
0x41: {  	[sflag:s10] =	ssyncset.done $0x0  }
0x42: {  	s9 =	rddreg [dreg:$0x7];
	[sflag:s10] =	ssyncadd.s32 $0xFFFFC000  }
0x43: {  	[tilespmem:s14], [sflag:$0x2] =	stream.indirect.gather [hbm4b:s4+s12], $0x80, s9, s12, $0xb8;
	[tilespmem:$0x1D000] =	vst v63  }
0x44: {  	_ =	swait.ge [sflag:s15], $0x4000  }
0x45: {  	[sflag:s15] =	ssyncset.done $0x0  }
0x46: {  	s7 =	rddreg [dreg:$0x8];
	[sflag:s15] =	ssyncadd.s32 $0xFFFFC000  }
0x47: {  	[spmem:s2] =	stream.indirect.scatter.add.f32 [tilespmem:s13], [sflag:$0x3], $0x80, s7, s12, $0xb8;
	[tilespmem:$0x1D000] =	vst v63  }
0x48: {  	_ =	swait.ge [sflag:s10], $0x4000  }
0x49: {  	[sflag:s10] =	ssyncset.done $0x0  }
0x4a: {  	s8 =	rddreg [dreg:$0x9];
	[sflag:s10] =	ssyncadd.s32 $0xFFFFC000  }
0x4b: {  	[tilespmem:s13], [sflag:$0x1] =	stream.indirect.gather [hbm4b:s4+s12], $0x80, s8, s12, $0xb8;
	[tilespmem:$0x1D000] =	vst v63  }
0x4c: {  	_ =	swait.ge [sflag:s16], $0x4000  }
0x4d: {  	[sflag:s16] =	ssyncset.done $0x0  }
0x4e: {  	s9 =	rddreg [dreg:$0xa];
	[sflag:s16] =	ssyncadd.s32 $0xFFFFC000  }
0x4f: {  	[spmem:s2] =	stream.indirect.scatter.add.f32 [tilespmem:s14], [sflag:$0x3], $0x80, s9, s12, $0xb8;
	[tilespmem:$0x1D000] =	vst v63  }
0x50: {  	_ =	swait.ge [sflag:s10], $0x4000  }
0x51: {  	[sflag:s10] =	ssyncset.done $0x0  }
0x52: {  	s7 =	rddreg [dreg:$0xb];
	[sflag:s10] =	ssyncadd.s32 $0xFFFFC000  }
0x53: {  	[tilespmem:s14], [sflag:$0x2] =	stream.indirect.gather [hbm4b:s4+s12], $0x80, s7, s12, $0xb8;
	[tilespmem:$0x1D000] =	vst v63  }
0x54: {  	_ =	swait.ge [sflag:s15], $0x4000  }
0x55: {  	[sflag:s15] =	ssyncset.done $0x0  }
0x56: {  	s8 =	rddreg [dreg:$0xc];
	[sflag:s15] =	ssyncadd.s32 $0xFFFFC000  }
0x57: {  	[spmem:s2] =	stream.indirect.scatter.add.f32 [tilespmem:s13], [sflag:$0x3], $0x80, s8, s12, $0xb8;
	[tilespmem:$0x1D000] =	vst v63  }
0x58: {  	_ =	swait.ge [sflag:s10], $0x4000  }
0x59: {  	[sflag:s10] =	ssyncset.done $0x0  }
0x5a: {  	s9 =	rddreg [dreg:$0xd];
	[sflag:s10] =	ssyncadd.s32 $0xFFFFC000  }
0x5b: {  	[tilespmem:s13], [sflag:$0x1] =	stream.indirect.gather [hbm4b:s4+s12], $0x80, s9, s12, $0xb8;
	[tilespmem:$0x1D000] =	vst v63  }
0x5c: {  	_ =	swait.ge [sflag:s16], $0x4000  }
0x5d: {  	[sflag:s16] =	ssyncset.done $0x0  }
0x5e: {  	s7 =	rddreg [dreg:$0xe];
	[sflag:s16] =	ssyncadd.s32 $0xFFFFC000  }
0x5f: {  	[spmem:s2] =	stream.indirect.scatter.add.f32 [tilespmem:s14], [sflag:$0x3], $0x80, s7, s12, $0xb8;
	[tilespmem:$0x1D000] =	vst v63  }
0x60: {  	_ =	swait.ge [sflag:s10], $0x4000  }
0x61: {  	[sflag:s10] =	ssyncset.done $0x0  }
0x62: {  	s8 =	rddreg [dreg:$0xf];
	[sflag:s10] =	ssyncadd.s32 $0xFFFFC000  }
0x63: {  	[tilespmem:s14], [sflag:$0x2] =	stream.indirect.gather [hbm4b:s4+s12], $0x80, s8, s12, $0xb8;
	[tilespmem:$0x1D000] =	vst v63  }
0x64: {  	_ =	swait.ge [sflag:s15], $0x4000  }
0x65: {  	[sflag:s15] =	ssyncset.done $0x0  }
0x66: {  	s9 =	rddreg [dreg:$0x10];
	[sflag:s15] =	ssyncadd.s32 $0xFFFFC000  }
0x67: {  	[spmem:s2] =	stream.indirect.scatter.add.f32 [tilespmem:s13], [sflag:$0x3], $0x80, s9, s12, $0xb8;
	[tilespmem:$0x1D000] =	vst v63  }
0x68: {  	_ =	swait.ge [sflag:s10], $0x4000  }
0x69: {  	[sflag:s10] =	ssyncset.done $0x0  }
0x6a: {  	[sflag:s10] =	ssyncadd.s32 $0xFFFFC000  }
0x6b: {  	[tilespmem:s13], [sflag:$0x1] =	stream.indirect.gather [hbm4b:s4+s12], $0x80, s17, s12, $0xb8;
	[tilespmem:$0x1D000] =	vst v63  }
0x6c: {  	_ =	swait.ge [sflag:s16], $0x4000  }
0x6d: {  	[sflag:s16] =	ssyncset.done $0x0  }
0x6e: {  	[sflag:s16] =	ssyncadd.s32 $0xFFFFC000  }
0x6f: {  	[spmem:s2] =	stream.indirect.scatter.add.f32 [tilespmem:s14], [sflag:$0x3], $0x80, s18, s12, $0xb8;
	[tilespmem:$0x1D000] =	vst v63  }
0x70: {  	_ =	swait.ge [sflag:s10], $0x4000  }
0x71: {  	[sflag:s10] =	ssyncset.done $0x0  }
0x72: {  	[sflag:s10] =	ssyncadd.s32 $0xFFFFC000  }
0x73: {  	[tilespmem:s14], [sflag:$0x2] =	stream.indirect.gather [hbm4b:s4+s12], $0x80, s19, s12, $0xb8;
	[tilespmem:$0x1D000] =	vst v63  }
0x74: {  	_ =	swait.ge [sflag:s15], $0x4000  }
0x75: {  	[sflag:s15] =	ssyncset.done $0x0  }
0x76: {  	[sflag:s15] =	ssyncadd.s32 $0xFFFFC000  }
0x77: {  	[spmem:s2] =	stream.indirect.scatter.add.f32 [tilespmem:s13], [sflag:$0x3], $0x80, s20, s12, $0xb8;
	[tilespmem:$0x1D000] =	vst v63  }
0x78: {  	_ =	swait.ge [sflag:s10], $0x4000  }
0x79: {  	[sflag:s10] =	ssyncset.done $0x0  }
0x7a: {  	[sflag:s10] =	ssyncadd.s32 $0xFFFFC000  }
0x7b: {  	[tilespmem:s13], [sflag:$0x1] =	stream.indirect.gather [hbm4b:s4+s12], $0x80, s21, s12, $0xb8;
	[tilespmem:$0x1D000] =	vst v63  }
0x7c: {  	_ =	swait.ge [sflag:s16], $0x4000  }
0x7d: {  	[sflag:s16] =	ssyncset.done $0x0  }
0x7e: {  	[sflag:s16] =	ssyncadd.s32 $0xFFFFC000  }
0x7f: {  	[spmem:s2] =	stream.indirect.scatter.add.f32 [tilespmem:s14], [sflag:$0x3], $0x80, s22, s12, $0xb8;
	[tilespmem:$0x1D000] =	vst v63  }
0x80: {  	_ =	swait.ge [sflag:s10], $0x4000  }
0x81: {  	[sflag:s10] =	ssyncset.done $0x0  }
0x82: {  	[sflag:s10] =	ssyncadd.s32 $0xFFFFC000  }
0x83: {  	[tilespmem:s14], [sflag:$0x2] =	stream.indirect.gather [hbm4b:s4+s12], $0x80, s23, s12, $0xb8;
	[tilespmem:$0x1D000] =	vst v63  }
0x84: {  	_ =	swait.ge [sflag:s15], $0x4000  }
0x85: {  	[sflag:s15] =	ssyncset.done $0x0  }
0x86: {  	[sflag:s15] =	ssyncadd.s32 $0xFFFFC000  }
0x87: {  	[spmem:s2] =	stream.indirect.scatter.add.f32 [tilespmem:s13], [sflag:$0x3], $0x80, s24, s12, $0xb8;
	[tilespmem:$0x1D000] =	vst v63  }
0x88: {  	_ =	swait.ge [sflag:s10], $0x4000  }
0x89: {  	[sflag:s10] =	ssyncset.done $0x0  }
0x8a: {  	[sflag:s10] =	ssyncadd.s32 $0xFFFFC000  }
0x8b: {  	[tilespmem:s13], [sflag:$0x1] =	stream.indirect.gather [hbm4b:s4+s12], $0x80, s25, s12, $0xb8;
	[tilespmem:$0x1D000] =	vst v63  }
0x8c: {  	_ =	swait.ge [sflag:s16], $0x4000  }
0x8d: {  	[sflag:s16] =	ssyncset.done $0x0  }
0x8e: {  	[sflag:s16] =	ssyncadd.s32 $0xFFFFC000  }
0x8f: {  	[spmem:s2] =	stream.indirect.scatter.add.f32 [tilespmem:s14], [sflag:$0x3], $0x80, s26, s12, $0xb8;
	[tilespmem:$0x1D000] =	vst v63  }
0x90: {  	_ =	swait.ge [sflag:s10], $0x4000  }
0x91: {  	[sflag:s10] =	ssyncset.done $0x0  }
0x92: {  	[sflag:s10] =	ssyncadd.s32 $0xFFFFC000  }
0x93: {  	[tilespmem:s14], [sflag:$0x2] =	stream.indirect.gather [hbm4b:s4+s12], $0x80, s28, s12, $0xb8;
	[tilespmem:$0x1D000] =	vst v63  }
0x94: {  	_ =	swait.ge [sflag:s15], $0x4000  }
0x95: {  	[sflag:s15] =	ssyncset.done $0x0  }
0x96: {  	[sflag:s15] =	ssyncadd.s32 $0xFFFFC000  }
0x97: {  	[spmem:s2] =	stream.indirect.scatter.add.f32 [tilespmem:s13], [sflag:$0x3], $0x80, s29, s12, $0xb8;
	[tilespmem:$0x1D000] =	vst v63  }
0x98: {  	_ =	swait.ge [sflag:s10], $0x4000  }
0x99: {  	[sflag:s10] =	ssyncset.done $0x0  }
0x9a: {  	[sflag:s10] =	ssyncadd.s32 $0xFFFFC000  }
0x9b: {  	[tilespmem:s13], [sflag:$0x1] =	stream.indirect.gather [hbm4b:s4+s12], $0x80, s30, s12, $0xb8;
	[tilespmem:$0x1D000] =	vst v63  }
0x9c: {  	_ =	swait.ge [sflag:s16], $0x4000  }
0x9d: {  	[sflag:s16] =	ssyncset.done $0x0  }
0x9e: {  	[sflag:s16] =	ssyncadd.s32 $0xFFFFC000  }
0x9f: {  	[spmem:s2] =	stream.indirect.scatter.add.f32 [tilespmem:s14], [sflag:$0x3], $0x80, s31, s12, $0xb8;
	[tilespmem:$0x1D000] =	vst v63  }
0xa0: {  	_ =	swait.ge [sflag:s10], $0x4000  }
0xa1: {  	[sflag:s10] =	ssyncset.done $0x0  }
0xa2: {  	[sflag:s10] =	ssyncadd.s32 $0xFFFFC000  }
0xa3: {  	[tilespmem:s14], [sflag:$0x2] =	stream.indirect.gather [hbm4b:s4+s12], $0x80, s1, s12, $0xb8;
	[tilespmem:$0x1D000] =	vst v63  }
0xa4: {  	_ =	swait.ge [sflag:s15], $0x4000  }
0xa5: {  	[sflag:s15] =	ssyncset.done $0x0  }
0xa6: {  	[sflag:s15] =	ssyncadd.s32 $0xFFFFC000  }
0xa7: {  	[spmem:s2] =	stream.indirect.scatter.add.f32 [tilespmem:s13], [sflag:$0x3], $0x80, s0, s12, $0xb8;
	[tilespmem:$0x1D000] =	vst v63  }
0xa8: {  	_ =	swait.ge [sflag:s10], $0x4000  }
0xa9: {  	[sflag:s10] =	ssyncset.done $0x0  }
0xaa: {  	[sflag:s10] =	ssyncadd.s32 $0xFFFFC000  }
0xab: {  	_ =	swait.ge [sflag:s16], $0x4000  }
0xac: {  	[sflag:s16] =	ssyncset.done $0x0  }
0xad: {  	[sflag:s16] =	ssyncadd.s32 $0xFFFFC000  }
0xae: {  	[spmem:s2] =	stream.indirect.scatter.add.f32 [tilespmem:s14], [sflag:$0x3], $0x80, s5, s12, $0xb8;
	[tilespmem:$0x1D000] =	vst v63  }
0xaf: {  	s6 =	simm.s32 $0x200;
	_ =	swait.ge [sflag:s10], $0x4000  }
0xb0: {  	s8 =	simm.s32 $0x100;
	s9 =	rddreg [dreg:$0x4];
	[sflag:s10] =	ssyncset.done $0x0  }
.LBB2_2:
0xb1: {  	[sflag:s10] =	ssyncadd.s32 $0xFFFFC000;
	s9 =	sadd.s32 s8, s9  }
0xb2: {  	[tilespmem:s3], [sflag:$0x3] =	stream.linear.gather [hbm4b:s9+s3], $0x800, $0x38;
	[tilespmem:$0x1D000] =	vst v63  }
0xb3: {  	_ =	swait.ge [sflag:s10], $0x800  }
0xb4: {  	s9 =	rddreg [dreg:$0x3];
	[sflag:s10] =	ssyncset.done $0x0  }
0xb5: {  	[sflag:s10] =	ssyncadd.s32 $0xFFFFF800;
	s9 =	sadd.s32 s8, s9  }
0xb6: {  	[tilespmem:s11], [sflag:$0x3] =	stream.linear.gather [hbm4b:s9+s3], $0x800, $0x38;
	[tilespmem:$0x1D000] =	vst v63  }
0xb7: {  	_ =	swait.ge [sflag:s10], $0x800  }
0xb8: {  	[sflag:s10] =	ssyncset.done $0x0  }
0xb9: {  	[sflag:s10] =	ssyncadd.s32 $0xFFFFF800  }
0xba: {  	[tilespmem:s13], [sflag:$0x1] =	stream.indirect.gather [hbm4b:s4+s12], $0x80, s3, s12, $0xb8;
	[tilespmem:$0x1D000] =	vst v63  }
0xbb: {  	_ = 	snop  }
0xbc: {  	[tilespmem:s14], [sflag:$0x2] =	stream.indirect.gather [hbm4b:s4+s12], $0x80, s12, s12, $0xb8;
	[tilespmem:$0x1D000] =	vst v63  }
0xbd: {  	_ =	swait.ge [sflag:s15], $0x4000  }
0xbe: {  	[sflag:s15] =	ssyncset.done $0x0  }
0xbf: {  	[sflag:s15] =	ssyncadd.s32 $0xFFFFC000  }
0xc0: {  	[spmem:s2] =	stream.indirect.scatter.add.f32 [tilespmem:s13], [sflag:$0x3], $0x80, s11, s12, $0xb8;
	[tilespmem:$0x1D000] =	vst v63  }
0xc1: {  	_ =	swait.ge [sflag:s10], $0x4000  }
0xc2: {  	[sflag:s10] =	ssyncset.done $0x0  }
0xc3: {  	s9 =	rddreg [dreg:$0x5];
	[sflag:s10] =	ssyncadd.s32 $0xFFFFC000  }
0xc4: {  	[tilespmem:s13], [sflag:$0x1] =	stream.indirect.gather [hbm4b:s4+s12], $0x80, s9, s12, $0xb8;
	[tilespmem:$0x1D000] =	vst v63  }
0xc5: {  	_ =	swait.ge [sflag:s16], $0x4000  }
0xc6: {  	[sflag:s16] =	ssyncset.done $0x0  }
0xc7: {  	s9 =	rddreg [dreg:$0x6];
	[sflag:s16] =	ssyncadd.s32 $0xFFFFC000  }
0xc8: {  	[spmem:s2] =	stream.indirect.scatter.add.f32 [tilespmem:s14], [sflag:$0x3], $0x80, s9, s12, $0xb8;
	[tilespmem:$0x1D000] =	vst v63  }
0xc9: {  	_ =	swait.ge [sflag:s10], $0x4000  }
0xca: {  	[sflag:s10] =	ssyncset.done $0x0  }
0xcb: {  	s9 =	rddreg [dreg:$0x7];
	[sflag:s10] =	ssyncadd.s32 $0xFFFFC000  }
0xcc: {  	[tilespmem:s14], [sflag:$0x2] =	stream.indirect.gather [hbm4b:s4+s12], $0x80, s9, s12, $0xb8;
	[tilespmem:$0x1D000] =	vst v63  }
0xcd: {  	_ =	swait.ge [sflag:s15], $0x4000  }
0xce: {  	[sflag:s15] =	ssyncset.done $0x0  }
0xcf: {  	s9 =	rddreg [dreg:$0x8];
	[sflag:s15] =	ssyncadd.s32 $0xFFFFC000  }
0xd0: {  	[spmem:s2] =	stream.indirect.scatter.add.f32 [tilespmem:s13], [sflag:$0x3], $0x80, s9, s12, $0xb8;
	[tilespmem:$0x1D000] =	vst v63  }
0xd1: {  	_ =	swait.ge [sflag:s10], $0x4000  }
0xd2: {  	[sflag:s10] =	ssyncset.done $0x0  }
0xd3: {  	s9 =	rddreg [dreg:$0x9];
	[sflag:s10] =	ssyncadd.s32 $0xFFFFC000  }
0xd4: {  	[tilespmem:s13], [sflag:$0x1] =	stream.indirect.gather [hbm4b:s4+s12], $0x80, s9, s12, $0xb8;
	[tilespmem:$0x1D000] =	vst v63  }
0xd5: {  	_ =	swait.ge [sflag:s16], $0x4000  }
0xd6: {  	[sflag:s16] =	ssyncset.done $0x0  }
0xd7: {  	s9 =	rddreg [dreg:$0xa];
	[sflag:s16] =	ssyncadd.s32 $0xFFFFC000  }
0xd8: {  	[spmem:s2] =	stream.indirect.scatter.add.f32 [tilespmem:s14], [sflag:$0x3], $0x80, s9, s12, $0xb8;
	[tilespmem:$0x1D000] =	vst v63  }
0xd9: {  	_ =	swait.ge [sflag:s10], $0x4000  }
0xda: {  	[sflag:s10] =	ssyncset.done $0x0  }
0xdb: {  	s9 =	rddreg [dreg:$0xb];
	[sflag:s10] =	ssyncadd.s32 $0xFFFFC000  }
0xdc: {  	[tilespmem:s14], [sflag:$0x2] =	stream.indirect.gather [hbm4b:s4+s12], $0x80, s9, s12, $0xb8;
	[tilespmem:$0x1D000] =	vst v63  }
0xdd: {  	_ =	swait.ge [sflag:s15], $0x4000  }
0xde: {  	[sflag:s15] =	ssyncset.done $0x0  }
0xdf: {  	s9 =	rddreg [dreg:$0xc];
	[sflag:s15] =	ssyncadd.s32 $0xFFFFC000  }
0xe0: {  	[spmem:s2] =	stream.indirect.scatter.add.f32 [tilespmem:s13], [sflag:$0x3], $0x80, s9, s12, $0xb8;
	[tilespmem:$0x1D000] =	vst v63  }
0xe1: {  	_ =	swait.ge [sflag:s10], $0x4000  }
0xe2: {  	[sflag:s10] =	ssyncset.done $0x0  }
0xe3: {  	s9 =	rddreg [dreg:$0xd];
	[sflag:s10] =	ssyncadd.s32 $0xFFFFC000  }
0xe4: {  	[tilespmem:s13], [sflag:$0x1] =	stream.indirect.gather [hbm4b:s4+s12], $0x80, s9, s12, $0xb8;
	[tilespmem:$0x1D000] =	vst v63  }
0xe5: {  	_ =	swait.ge [sflag:s16], $0x4000  }
0xe6: {  	[sflag:s16] =	ssyncset.done $0x0  }
0xe7: {  	s9 =	rddreg [dreg:$0xe];
	[sflag:s16] =	ssyncadd.s32 $0xFFFFC000  }
0xe8: {  	[spmem:s2] =	stream.indirect.scatter.add.f32 [tilespmem:s14], [sflag:$0x3], $0x80, s9, s12, $0xb8;
	[tilespmem:$0x1D000] =	vst v63  }
0xe9: {  	_ =	swait.ge [sflag:s10], $0x4000  }
0xea: {  	[sflag:s10] =	ssyncset.done $0x0  }
0xeb: {  	s9 =	rddreg [dreg:$0xf];
	[sflag:s10] =	ssyncadd.s32 $0xFFFFC000  }
0xec: {  	[tilespmem:s14], [sflag:$0x2] =	stream.indirect.gather [hbm4b:s4+s12], $0x80, s9, s12, $0xb8;
	[tilespmem:$0x1D000] =	vst v63  }
0xed: {  	_ =	swait.ge [sflag:s15], $0x4000  }
0xee: {  	[sflag:s15] =	ssyncset.done $0x0  }
0xef: {  	s9 =	rddreg [dreg:$0x10];
	[sflag:s15] =	ssyncadd.s32 $0xFFFFC000  }
0xf0: {  	[spmem:s2] =	stream.indirect.scatter.add.f32 [tilespmem:s13], [sflag:$0x3], $0x80, s9, s12, $0xb8;
	[tilespmem:$0x1D000] =	vst v63  }
0xf1: {  	_ =	swait.ge [sflag:s10], $0x4000  }
0xf2: {  	[sflag:s10] =	ssyncset.done $0x0  }
0xf3: {  	[sflag:s10] =	ssyncadd.s32 $0xFFFFC000  }
0xf4: {  	[tilespmem:s13], [sflag:$0x1] =	stream.indirect.gather [hbm4b:s4+s12], $0x80, s17, s12, $0xb8;
	[tilespmem:$0x1D000] =	vst v63  }
0xf5: {  	_ =	swait.ge [sflag:s16], $0x4000  }
0xf6: {  	[sflag:s16] =	ssyncset.done $0x0  }
0xf7: {  	[sflag:s16] =	ssyncadd.s32 $0xFFFFC000  }
0xf8: {  	[spmem:s2] =	stream.indirect.scatter.add.f32 [tilespmem:s14], [sflag:$0x3], $0x80, s18, s12, $0xb8;
	[tilespmem:$0x1D000] =	vst v63  }
0xf9: {  	_ =	swait.ge [sflag:s10], $0x4000  }
0xfa: {  	[sflag:s10] =	ssyncset.done $0x0  }
0xfb: {  	[sflag:s10] =	ssyncadd.s32 $0xFFFFC000  }
0xfc: {  	[tilespmem:s14], [sflag:$0x2] =	stream.indirect.gather [hbm4b:s4+s12], $0x80, s19, s12, $0xb8;
	[tilespmem:$0x1D000] =	vst v63  }
0xfd: {  	_ =	swait.ge [sflag:s15], $0x4000  }
0xfe: {  	[sflag:s15] =	ssyncset.done $0x0  }
0xff: {  	[sflag:s15] =	ssyncadd.s32 $0xFFFFC000  }
0x100: {  	[spmem:s2] =	stream.indirect.scatter.add.f32 [tilespmem:s13], [sflag:$0x3], $0x80, s20, s12, $0xb8;
	[tilespmem:$0x1D000] =	vst v63  }
0x101: {  	_ =	swait.ge [sflag:s10], $0x4000  }
0x102: {  	[sflag:s10] =	ssyncset.done $0x0  }
0x103: {  	[sflag:s10] =	ssyncadd.s32 $0xFFFFC000  }
0x104: {  	[tilespmem:s13], [sflag:$0x1] =	stream.indirect.gather [hbm4b:s4+s12], $0x80, s21, s12, $0xb8;
	[tilespmem:$0x1D000] =	vst v63  }
0x105: {  	_ =	swait.ge [sflag:s16], $0x4000  }
0x106: {  	[sflag:s16] =	ssyncset.done $0x0  }
0x107: {  	[sflag:s16] =	ssyncadd.s32 $0xFFFFC000  }
0x108: {  	[spmem:s2] =	stream.indirect.scatter.add.f32 [tilespmem:s14], [sflag:$0x3], $0x80, s22, s12, $0xb8;
	[tilespmem:$0x1D000] =	vst v63  }
0x109: {  	_ =	swait.ge [sflag:s10], $0x4000  }
0x10a: {  	[sflag:s10] =	ssyncset.done $0x0  }
0x10b: {  	[sflag:s10] =	ssyncadd.s32 $0xFFFFC000  }
0x10c: {  	[tilespmem:s14], [sflag:$0x2] =	stream.indirect.gather [hbm4b:s4+s12], $0x80, s23, s12, $0xb8;
	[tilespmem:$0x1D000] =	vst v63  }
0x10d: {  	_ =	swait.ge [sflag:s15], $0x4000  }
0x10e: {  	[sflag:s15] =	ssyncset.done $0x0  }
0x10f: {  	[sflag:s15] =	ssyncadd.s32 $0xFFFFC000  }
0x110: {  	[spmem:s2] =	stream.indirect.scatter.add.f32 [tilespmem:s13], [sflag:$0x3], $0x80, s24, s12, $0xb8;
	[tilespmem:$0x1D000] =	vst v63  }
0x111: {  	_ =	swait.ge [sflag:s10], $0x4000  }
0x112: {  	[sflag:s10] =	ssyncset.done $0x0  }
0x113: {  	[sflag:s10] =	ssyncadd.s32 $0xFFFFC000  }
0x114: {  	[tilespmem:s13], [sflag:$0x1] =	stream.indirect.gather [hbm4b:s4+s12], $0x80, s25, s12, $0xb8;
	[tilespmem:$0x1D000] =	vst v63  }
0x115: {  	_ =	swait.ge [sflag:s16], $0x4000  }
0x116: {  	[sflag:s16] =	ssyncset.done $0x0  }
0x117: {  	[sflag:s16] =	ssyncadd.s32 $0xFFFFC000  }
0x118: {  	[spmem:s2] =	stream.indirect.scatter.add.f32 [tilespmem:s14], [sflag:$0x3], $0x80, s26, s12, $0xb8;
	[tilespmem:$0x1D000] =	vst v63  }
0x119: {  	_ =	swait.ge [sflag:s10], $0x4000  }
0x11a: {  	[sflag:s10] =	ssyncset.done $0x0  }
0x11b: {  	[sflag:s10] =	ssyncadd.s32 $0xFFFFC000  }
0x11c: {  	[tilespmem:s14], [sflag:$0x2] =	stream.indirect.gather [hbm4b:s4+s12], $0x80, s28, s12, $0xb8;
	[tilespmem:$0x1D000] =	vst v63  }
0x11d: {  	_ =	swait.ge [sflag:s15], $0x4000  }
0x11e: {  	[sflag:s15] =	ssyncset.done $0x0  }
0x11f: {  	[sflag:s15] =	ssyncadd.s32 $0xFFFFC000  }
0x120: {  	[spmem:s2] =	stream.indirect.scatter.add.f32 [tilespmem:s13], [sflag:$0x3], $0x80, s29, s12, $0xb8;
	[tilespmem:$0x1D000] =	vst v63  }
0x121: {  	_ =	swait.ge [sflag:s10], $0x4000  }
0x122: {  	[sflag:s10] =	ssyncset.done $0x0  }
0x123: {  	[sflag:s10] =	ssyncadd.s32 $0xFFFFC000  }
0x124: {  	[tilespmem:s13], [sflag:$0x1] =	stream.indirect.gather [hbm4b:s4+s12], $0x80, s30, s12, $0xb8;
	[tilespmem:$0x1D000] =	vst v63  }
0x125: {  	_ =	swait.ge [sflag:s16], $0x4000  }
0x126: {  	[sflag:s16] =	ssyncset.done $0x0  }
0x127: {  	[sflag:s16] =	ssyncadd.s32 $0xFFFFC000  }
0x128: {  	[spmem:s2] =	stream.indirect.scatter.add.f32 [tilespmem:s14], [sflag:$0x3], $0x80, s31, s12, $0xb8;
	[tilespmem:$0x1D000] =	vst v63  }
0x129: {  	_ =	swait.ge [sflag:s10], $0x4000  }
0x12a: {  	[sflag:s10] =	ssyncset.done $0x0  }
0x12b: {  	[sflag:s10] =	ssyncadd.s32 $0xFFFFC000  }
0x12c: {  	[tilespmem:s14], [sflag:$0x2] =	stream.indirect.gather [hbm4b:s4+s12], $0x80, s1, s12, $0xb8;
	[tilespmem:$0x1D000] =	vst v63  }
0x12d: {  	_ =	swait.ge [sflag:s15], $0x4000  }
0x12e: {  	[sflag:s15] =	ssyncset.done $0x0  }
0x12f: {  	[sflag:s15] =	ssyncadd.s32 $0xFFFFC000  }
0x130: {  	[spmem:s2] =	stream.indirect.scatter.add.f32 [tilespmem:s13], [sflag:$0x3], $0x80, s0, s12, $0xb8;
	[tilespmem:$0x1D000] =	vst v63  }
0x131: {  	_ =	swait.ge [sflag:s10], $0x4000  }
0x132: {  	[sflag:s10] =	ssyncset.done $0x0  }
0x133: {  	[sflag:s10] =	ssyncadd.s32 $0xFFFFC000  }
0x134: {  	p0 =	sne.s32 s6, $0x400;
	_ =	swait.ge [sflag:s16], $0x4000  }
.Ltmp0:
0x135: {  	[sflag:s16] =	ssyncset.done $0x0;
	(pc) =	sbr.rel @p0 .LBB2_2-.Ltmp0, $4  }
0x136: {  	[sflag:s16] =	ssyncadd.s32 $0xFFFFC000  }
0x137: {  	[spmem:s2] =	stream.indirect.scatter.add.f32 [tilespmem:s14], [sflag:$0x3], $0x80, s5, s12, $0xb8;
	[tilespmem:$0x1D000] =	vst v63  }
0x138: {  	s7 =	smov.u32 s6;
	s6 =	sadd.s32 $0x100, s6;
	_ =	swait.ge [sflag:s10], $0x4000  }
0x139: {  	s8 =	smov.u32 s7;
	s9 =	rddreg [dreg:$0x4];
	[sflag:s10] =	ssyncset.done $0x0  }
0x13a: {  	[sflag:s10] =	ssyncadd.s32 $0xFFFFC000;
	s6 =	sadd.s32 s8, s9  }
0x13b: {  	[tilespmem:s3], [sflag:$0x3] =	stream.linear.gather [hbm4b:s6+s3], $0x800, $0x38;
	[tilespmem:$0x1D000] =	vst v63  }
0x13c: {  	_ =	swait.ge [sflag:s10], $0x800  }
0x13d: {  	s7 =	rddreg [dreg:$0x3];
	[sflag:s10] =	ssyncset.done $0x0  }
0x13e: {  	s6 =	sadd.s32 s8, s7;
	[sflag:s10] =	ssyncadd.s32 $0xFFFFF800  }
0x13f: {  	[tilespmem:s11], [sflag:$0x3] =	stream.linear.gather [hbm4b:s6+s3], $0x800, $0x38;
	[tilespmem:$0x1D000] =	vst v63  }
0x140: {  	_ =	swait.ge [sflag:s10], $0x800  }
0x141: {  	[sflag:s10] =	ssyncset.done $0x0  }
0x142: {  	[sflag:s10] =	ssyncadd.s32 $0xFFFFF800  }
0x143: {  	[tilespmem:s13], [sflag:$0x1] =	stream.indirect.gather [hbm4b:s4+s12], $0x80, s3, s12, $0xb8;
	[tilespmem:$0x1D000] =	vst v63  }
0x144: {  	_ = 	snop  }
0x145: {  	[tilespmem:s14], [sflag:$0x2] =	stream.indirect.gather [hbm4b:s4+s12], $0x80, s12, s12, $0xb8;
	[tilespmem:$0x1D000] =	vst v63  }
0x146: {  	_ =	swait.ge [sflag:s15], $0x4000  }
0x147: {  	[sflag:s15] =	ssyncset.done $0x0  }
0x148: {  	[sflag:s15] =	ssyncadd.s32 $0xFFFFC000  }
0x149: {  	[spmem:s2] =	stream.indirect.scatter.add.f32 [tilespmem:s13], [sflag:$0x3], $0x80, s11, s12, $0xb8;
	[tilespmem:$0x1D000] =	vst v63  }
0x14a: {  	_ =	swait.ge [sflag:s10], $0x4000  }
0x14b: {  	[sflag:s10] =	ssyncset.done $0x0  }
0x14c: {  	s9 =	rddreg [dreg:$0x5];
	[sflag:s10] =	ssyncadd.s32 $0xFFFFC000  }
0x14d: {  	[tilespmem:s13], [sflag:$0x1] =	stream.indirect.gather [hbm4b:s4+s12], $0x80, s9, s12, $0xb8;
	[tilespmem:$0x1D000] =	vst v63  }
0x14e: {  	_ =	swait.ge [sflag:s16], $0x4000  }
0x14f: {  	[sflag:s16] =	ssyncset.done $0x0  }
0x150: {  	s7 =	rddreg [dreg:$0x6];
	[sflag:s16] =	ssyncadd.s32 $0xFFFFC000  }
0x151: {  	[spmem:s2] =	stream.indirect.scatter.add.f32 [tilespmem:s14], [sflag:$0x3], $0x80, s7, s12, $0xb8;
	[tilespmem:$0x1D000] =	vst v63  }
0x152: {  	_ =	swait.ge [sflag:s10], $0x4000  }
0x153: {  	[sflag:s10] =	ssyncset.done $0x0  }
0x154: {  	s8 =	rddreg [dreg:$0x7];
	[sflag:s10] =	ssyncadd.s32 $0xFFFFC000  }
0x155: {  	[tilespmem:s14], [sflag:$0x2] =	stream.indirect.gather [hbm4b:s4+s12], $0x80, s8, s12, $0xb8;
	[tilespmem:$0x1D000] =	vst v63  }
0x156: {  	_ =	swait.ge [sflag:s15], $0x4000  }
0x157: {  	[sflag:s15] =	ssyncset.done $0x0  }
0x158: {  	s9 =	rddreg [dreg:$0x8];
	[sflag:s15] =	ssyncadd.s32 $0xFFFFC000  }
0x159: {  	[spmem:s2] =	stream.indirect.scatter.add.f32 [tilespmem:s13], [sflag:$0x3], $0x80, s9, s12, $0xb8;
	[tilespmem:$0x1D000] =	vst v63  }
0x15a: {  	_ =	swait.ge [sflag:s10], $0x4000  }
0x15b: {  	[sflag:s10] =	ssyncset.done $0x0  }
0x15c: {  	s7 =	rddreg [dreg:$0x9];
	[sflag:s10] =	ssyncadd.s32 $0xFFFFC000  }
0x15d: {  	[tilespmem:s13], [sflag:$0x1] =	stream.indirect.gather [hbm4b:s4+s12], $0x80, s7, s12, $0xb8;
	[tilespmem:$0x1D000] =	vst v63  }
0x15e: {  	_ =	swait.ge [sflag:s16], $0x4000  }
0x15f: {  	[sflag:s16] =	ssyncset.done $0x0  }
0x160: {  	s8 =	rddreg [dreg:$0xa];
	[sflag:s16] =	ssyncadd.s32 $0xFFFFC000  }
0x161: {  	[spmem:s2] =	stream.indirect.scatter.add.f32 [tilespmem:s14], [sflag:$0x3], $0x80, s8, s12, $0xb8;
	[tilespmem:$0x1D000] =	vst v63  }
0x162: {  	_ =	swait.ge [sflag:s10], $0x4000  }
0x163: {  	[sflag:s10] =	ssyncset.done $0x0  }
0x164: {  	s9 =	rddreg [dreg:$0xb];
	[sflag:s10] =	ssyncadd.s32 $0xFFFFC000  }
0x165: {  	[tilespmem:s14], [sflag:$0x2] =	stream.indirect.gather [hbm4b:s4+s12], $0x80, s9, s12, $0xb8;
	[tilespmem:$0x1D000] =	vst v63  }
0x166: {  	_ =	swait.ge [sflag:s15], $0x4000  }
0x167: {  	[sflag:s15] =	ssyncset.done $0x0  }
0x168: {  	s7 =	rddreg [dreg:$0xc];
	[sflag:s15] =	ssyncadd.s32 $0xFFFFC000  }
0x169: {  	[spmem:s2] =	stream.indirect.scatter.add.f32 [tilespmem:s13], [sflag:$0x3], $0x80, s7, s12, $0xb8;
	[tilespmem:$0x1D000] =	vst v63  }
0x16a: {  	_ =	swait.ge [sflag:s10], $0x4000  }
0x16b: {  	[sflag:s10] =	ssyncset.done $0x0  }
0x16c: {  	s8 =	rddreg [dreg:$0xd];
	[sflag:s10] =	ssyncadd.s32 $0xFFFFC000  }
0x16d: {  	[tilespmem:s13], [sflag:$0x1] =	stream.indirect.gather [hbm4b:s4+s12], $0x80, s8, s12, $0xb8;
	[tilespmem:$0x1D000] =	vst v63  }
0x16e: {  	_ =	swait.ge [sflag:s16], $0x4000  }
0x16f: {  	[sflag:s16] =	ssyncset.done $0x0  }
0x170: {  	s9 =	rddreg [dreg:$0xe];
	[sflag:s16] =	ssyncadd.s32 $0xFFFFC000  }
0x171: {  	[spmem:s2] =	stream.indirect.scatter.add.f32 [tilespmem:s14], [sflag:$0x3], $0x80, s9, s12, $0xb8;
	[tilespmem:$0x1D000] =	vst v63  }
0x172: {  	_ =	swait.ge [sflag:s10], $0x4000  }
0x173: {  	[sflag:s10] =	ssyncset.done $0x0  }
0x174: {  	s7 =	rddreg [dreg:$0xf];
	[sflag:s10] =	ssyncadd.s32 $0xFFFFC000  }
0x175: {  	[tilespmem:s14], [sflag:$0x2] =	stream.indirect.gather [hbm4b:s4+s12], $0x80, s7, s12, $0xb8;
	[tilespmem:$0x1D000] =	vst v63  }
0x176: {  	_ =	swait.ge [sflag:s15], $0x4000  }
0x177: {  	[sflag:s15] =	ssyncset.done $0x0  }
0x178: {  	s8 =	rddreg [dreg:$0x10];
	[sflag:s15] =	ssyncadd.s32 $0xFFFFC000  }
0x179: {  	[spmem:s2] =	stream.indirect.scatter.add.f32 [tilespmem:s13], [sflag:$0x3], $0x80, s8, s12, $0xb8;
	[tilespmem:$0x1D000] =	vst v63  }
0x17a: {  	_ =	swait.ge [sflag:s10], $0x4000  }
0x17b: {  	[sflag:s10] =	ssyncset.done $0x0  }
0x17c: {  	[sflag:s10] =	ssyncadd.s32 $0xFFFFC000  }
0x17d: {  	[tilespmem:s13], [sflag:$0x1] =	stream.indirect.gather [hbm4b:s4+s12], $0x80, s17, s12, $0xb8;
	[tilespmem:$0x1D000] =	vst v63  }
0x17e: {  	_ =	swait.ge [sflag:s16], $0x4000  }
0x17f: {  	[sflag:s16] =	ssyncset.done $0x0  }
0x180: {  	[sflag:s16] =	ssyncadd.s32 $0xFFFFC000  }
0x181: {  	[spmem:s2] =	stream.indirect.scatter.add.f32 [tilespmem:s14], [sflag:$0x3], $0x80, s18, s12, $0xb8;
	[tilespmem:$0x1D000] =	vst v63  }
0x182: {  	_ =	swait.ge [sflag:s10], $0x4000  }
0x183: {  	[sflag:s10] =	ssyncset.done $0x0  }
0x184: {  	[sflag:s10] =	ssyncadd.s32 $0xFFFFC000  }
0x185: {  	[tilespmem:s14], [sflag:$0x2] =	stream.indirect.gather [hbm4b:s4+s12], $0x80, s19, s12, $0xb8;
	[tilespmem:$0x1D000] =	vst v63  }
0x186: {  	_ =	swait.ge [sflag:s15], $0x4000  }
0x187: {  	[sflag:s15] =	ssyncset.done $0x0  }
0x188: {  	[sflag:s15] =	ssyncadd.s32 $0xFFFFC000  }
0x189: {  	[spmem:s2] =	stream.indirect.scatter.add.f32 [tilespmem:s13], [sflag:$0x3], $0x80, s20, s12, $0xb8;
	[tilespmem:$0x1D000] =	vst v63  }
0x18a: {  	_ =	swait.ge [sflag:s10], $0x4000  }
0x18b: {  	[sflag:s10] =	ssyncset.done $0x0  }
0x18c: {  	[sflag:s10] =	ssyncadd.s32 $0xFFFFC000  }
0x18d: {  	[tilespmem:s13], [sflag:$0x1] =	stream.indirect.gather [hbm4b:s4+s12], $0x80, s21, s12, $0xb8;
	[tilespmem:$0x1D000] =	vst v63  }
0x18e: {  	_ =	swait.ge [sflag:s16], $0x4000  }
0x18f: {  	[sflag:s16] =	ssyncset.done $0x0  }
0x190: {  	[sflag:s16] =	ssyncadd.s32 $0xFFFFC000  }
0x191: {  	[spmem:s2] =	stream.indirect.scatter.add.f32 [tilespmem:s14], [sflag:$0x3], $0x80, s22, s12, $0xb8;
	[tilespmem:$0x1D000] =	vst v63  }
0x192: {  	_ =	swait.ge [sflag:s10], $0x4000  }
0x193: {  	[sflag:s10] =	ssyncset.done $0x0  }
0x194: {  	[sflag:s10] =	ssyncadd.s32 $0xFFFFC000  }
0x195: {  	[tilespmem:s14], [sflag:$0x2] =	stream.indirect.gather [hbm4b:s4+s12], $0x80, s23, s12, $0xb8;
	[tilespmem:$0x1D000] =	vst v63  }
0x196: {  	_ =	swait.ge [sflag:s15], $0x4000  }
0x197: {  	[sflag:s15] =	ssyncset.done $0x0  }
0x198: {  	[sflag:s15] =	ssyncadd.s32 $0xFFFFC000  }
0x199: {  	[spmem:s2] =	stream.indirect.scatter.add.f32 [tilespmem:s13], [sflag:$0x3], $0x80, s24, s12, $0xb8;
	[tilespmem:$0x1D000] =	vst v63  }
0x19a: {  	_ =	swait.ge [sflag:s10], $0x4000  }
0x19b: {  	[sflag:s10] =	ssyncset.done $0x0  }
0x19c: {  	[sflag:s10] =	ssyncadd.s32 $0xFFFFC000  }
0x19d: {  	[tilespmem:s13], [sflag:$0x1] =	stream.indirect.gather [hbm4b:s4+s12], $0x80, s25, s12, $0xb8;
	[tilespmem:$0x1D000] =	vst v63  }
0x19e: {  	_ =	swait.ge [sflag:s16], $0x4000  }
0x19f: {  	[sflag:s16] =	ssyncset.done $0x0  }
0x1a0: {  	[sflag:s16] =	ssyncadd.s32 $0xFFFFC000  }
0x1a1: {  	[spmem:s2] =	stream.indirect.scatter.add.f32 [tilespmem:s14], [sflag:$0x3], $0x80, s26, s12, $0xb8;
	[tilespmem:$0x1D000] =	vst v63  }
0x1a2: {  	_ =	swait.ge [sflag:s10], $0x4000  }
0x1a3: {  	[sflag:s10] =	ssyncset.done $0x0  }
0x1a4: {  	[sflag:s10] =	ssyncadd.s32 $0xFFFFC000  }
0x1a5: {  	[tilespmem:s14], [sflag:$0x2] =	stream.indirect.gather [hbm4b:s4+s12], $0x80, s28, s12, $0xb8;
	[tilespmem:$0x1D000] =	vst v63  }
0x1a6: {  	_ =	swait.ge [sflag:s15], $0x4000  }
0x1a7: {  	[sflag:s15] =	ssyncset.done $0x0  }
0x1a8: {  	[sflag:s15] =	ssyncadd.s32 $0xFFFFC000  }
0x1a9: {  	[spmem:s2] =	stream.indirect.scatter.add.f32 [tilespmem:s13], [sflag:$0x3], $0x80, s29, s12, $0xb8;
	[tilespmem:$0x1D000] =	vst v63  }
0x1aa: {  	_ =	swait.ge [sflag:s10], $0x4000  }
0x1ab: {  	[sflag:s10] =	ssyncset.done $0x0  }
0x1ac: {  	[sflag:s10] =	ssyncadd.s32 $0xFFFFC000  }
0x1ad: {  	[tilespmem:s13], [sflag:$0x1] =	stream.indirect.gather [hbm4b:s4+s12], $0x80, s30, s12, $0xb8;
	[tilespmem:$0x1D000] =	vst v63  }
0x1ae: {  	_ =	swait.ge [sflag:s16], $0x4000  }
0x1af: {  	[sflag:s16] =	ssyncset.done $0x0  }
0x1b0: {  	[sflag:s16] =	ssyncadd.s32 $0xFFFFC000  }
0x1b1: {  	[spmem:s2] =	stream.indirect.scatter.add.f32 [tilespmem:s14], [sflag:$0x3], $0x80, s31, s12, $0xb8;
	[tilespmem:$0x1D000] =	vst v63  }
0x1b2: {  	_ =	swait.ge [sflag:s10], $0x4000  }
0x1b3: {  	[sflag:s10] =	ssyncset.done $0x0  }
0x1b4: {  	[sflag:s10] =	ssyncadd.s32 $0xFFFFC000  }
0x1b5: {  	[tilespmem:s14], [sflag:$0x2] =	stream.indirect.gather [hbm4b:s4+s12], $0x80, s1, s12, $0xb8;
	[tilespmem:$0x1D000] =	vst v63  }
0x1b6: {  	_ =	swait.ge [sflag:s15], $0x4000  }
0x1b7: {  	[sflag:s15] =	ssyncset.done $0x0  }
0x1b8: {  	[sflag:s15] =	ssyncadd.s32 $0xFFFFC000  }
0x1b9: {  	[spmem:s2] =	stream.indirect.scatter.add.f32 [tilespmem:s13], [sflag:$0x3], $0x80, s0, s12, $0xb8;
	[tilespmem:$0x1D000] =	vst v63  }
0x1ba: {  	_ =	swait.ge [sflag:s10], $0x4000  }
0x1bb: {  	[sflag:s10] =	ssyncset.done $0x0  }
0x1bc: {  	[sflag:s10] =	ssyncadd.s32 $0xFFFFC000  }
0x1bd: {  	_ =	swait.ge [sflag:s16], $0x4000  }
0x1be: {  	[sflag:s16] =	ssyncset.done $0x0  }
0x1bf: {  	[sflag:s16] =	ssyncadd.s32 $0xFFFFC000  }
0x1c0: {  	[spmem:s2] =	stream.indirect.scatter.add.f32 [tilespmem:s14], [sflag:$0x3], $0x80, s5, s12, $0xb8;
	[tilespmem:$0x1D000] =	vst v63  }
0x1c1: {  	_ =	swait.ge [sflag:s10], $0x4000  }
0x1c2: {  	[sflag:s10] =	ssyncset.done $0x0  }
0x1c3: {  	[sflag:s10] =	ssyncadd.s32 $0xFFFFC000  }
0x1c4: {  	[bflag:$0x0] =	sbarrier.arrive $0xFFFF  }
0x1c5: {  	s7 =	rddreg [dreg:$0x12]  }
0x1c6: {  	s9 =	rddreg [dreg:$0x13]  }
0x1c7: {  	s8 =	rddreg [dreg:$0x15]  }
0x1c8: {  	[hbm:s9], [sflag:s7] =	dma.local [spmem:s8], $0x2800  }
0x1c9: {  	_ =	swait.ge [sflag:s10], $0x2800  }
0x1ca: {  	s6 =	rddreg [dreg:$0x16]  }
0x1cb: {  	s9 =	sadd.s32 $0x1, s6;
	s6 =	rddreg [dreg:$0x14]  }
0x1cc: {  	p0 =	sne.s32 s9, s6  }
.Ltmp1:
0x1cd: {  	_ = 	snop;
	(pc) =	sbr.rel @p0 .LBB2_1-.Ltmp1, $3  }
0x1ce: {  	_ =	sdelay $0x1  }
0x1cf: {  	[sflag:s10] =	ssyncset.done $0x0  }
0x1d0: {  	[sflag:s10] =	ssyncadd.s32 $0xFFFFD800  }
0x1d1: {  	_ =	sfence.sel $0x180000  }
0x1d2: {  	[bflag:$0x0] =	sbarrier.arrive $0xFFFF  }
0x1d3: {  	_ =	strace $0x9000004A  }
0x1d4: {  	s0 =	stileid.u32;
	[bflag:$0x2] =	sbarrier.arrive $0xFFFF  }
0x1d5: {  	p0 =	sne.s32 s0, $0x0;
	s0 =	rddreg [dreg:$0x2]  }
0x1d6: {  	s0 =	sadd.s32 @!p0 $0x100000, s0  }
0x1d7: {  	[sflag:s0] =	ssyncadd.tile.s32 @!p0 $0x1;
	_ =	shalt  }
.Lfunc_end2:
_tile_overlayer_lowered:
.L_overlay_start_2:
0x1d8: {  	(tag) =	ssettag $0x2  }
0x1d9: {  	s0 =	rddreg [dreg:$0x0];
	s2 =	stileid.u32  }
0x1da: {  	s1 =	rddreg [dreg:$0x1];
	p0 =	sne.s32 s2, $0x0  }
0x1db: {  	s3 =	rddreg [dreg:$0x2];
	[bflag:$0x3] =	sbarrier.arrive $0xFFFF;
	s2 =	simm.s32 @!p0 $0x1C03  }
0x1dc: {  	[timem:s3], [sflag:s2] =	dma.local @!p0 [hbm:s0], s1  }
0x1dd: {  	s0 =	simm.s32 @!p0 $0x3  }
0x1de: {  	_ =	swait.ge @!p0 [sflag:s0], s1  }
0x1df: {  	s1 =	ssub.s32 @!p0 $0x0, s1;
	[sflag:s0] =	ssyncset.done @!p0 $0x0  }
0x1e0: {  	[sflag:s0] =	ssyncadd.s32 @!p0 s1  }
0x1e1: {  	[bflag:$0x3] =	sbarrier.arrive $0xFFFF  }
0x1e2: {  	_ =	shalt  }

// kernel: kernel.7.cloned.1.call-start
scs
__scs_entry_jumppad:
0x0: {  	(pc) =	sbr.rel $0x88, $3  }
0x1: {  	(tag) =	ssettag $0x0;
	lr =	simm.s32 $0x1  }
0x2: {  	[smem:$0x3F95] =	sst lr;
	_ =	strace $0xD0000000  }
0x3: {  	_ = 	snop  }
0x4: {  	_ = 	snop  }
0x5: {  	_ = 	snop  }
0x6: {  	_ = 	snop  }
0x7: {  	_ = 	snop  }
__scs_overlays_trampoline_lowered:
0x8: {  	[smem:$0x3FA4] =	sst s0  }
0x9: {  	[smem:$0x3FA5] =	sst s1  }
0xa: {  	[smem:$0x3FA6] =	sst s2  }
0xb: {  	[smem:$0x3FA7] =	sst s3  }
0xc: {  	[smem:$0x3FA8] =	sst s4  }
0xd: {  	[smem:$0x3FA9] =	sst s5  }
0xe: {  	[smem:$0x3FAA] =	sst s6  }
0xf: {  	[smem:$0x3FAB] =	sst s7  }
0x10: {  	[smem:$0x3FAC] =	sst s8  }
0x11: {  	[smem:$0x3FAD] =	sst s9;
	s0 =	simm.s32 @!p0 $0x0  }
0x12: {  	s1 =	sld [smem:$0x3F93];
	s0 =	simm.s32 @p0 $0x1  }
0x13: {  	[smem:$0x3FAE] =	sst s0;
	s0 =	simm.s32 @!p1 $0x0  }
0x14: {  	s2 =	sld [smem:$0x3F92];
	s0 =	simm.s32 @p1 $0x1  }
0x15: {  	[smem:$0x3FAF] =	sst s0;
	s0 =	simm.s32 @!p2 $0x0  }
0x16: {  	s3 =	sld [smem:$0x3FDB];
	s0 =	simm.s32 @p2 $0x1  }
0x17: {  	s4 =	simm.s32 $0x1BF5;
	[smem:$0x3FB1] =	sst s0  }
0x18: {  	s0 =	sld [smem:$0x3F94];
	_ =	swait.ge [sflag:s4], $0x0  }
0x19: {  	s7 =	sld [smem:$0x3F95]  }
0x1a: {  	s8 =	sadd.s32 $0xFFFFE003, lr  }
0x1b: {  	s9 =	sadd.s32 $0xFFFFFEF7, lr;
	s5 =	simm.s32 $0xFFFFFFFF;
	p2 =	slt.u32 s8, $0xFFFFF086  }
0x1c: {  	p1 =	slt.u32 s9, $0xF7A;
	s5 =	simm.s32 @!p2 $0x0  }
0x1d: {  	s5 =	simm.s32 @p1 $0x1;
	p0 =	seq.s32 s7, s2  }
0x1e: {  	s7 =	smul.u32 @!p0 $0xF7A, s2;
	p2 =	seq.s32 @!p0 s5, $0x0  }
0x1f: {  	s9 =	smul.u32 $0xF7A, s1;
	s8 =	simm.s32 @!p0 $0x1BF5;
	p2 =	por !p2, p0  }
0x20: {  	[sflag:s8] =	ssyncset.s32 @!p0 $0xFFFFF086;
	s6 =	sadd.s32 @!p0 s3, s7;
	s7 =	simm.s32 @!p0 $0x108  }
0x21: {  	s3 =	sadd.s32 s3, s9;
	s6 =	sadd.s32 @!p0 $0x88, s6;
	s7 =	simm.s32 @p2 $0x1082  }
0x22: {  	[simem:s7], [sflag:s8] =	dma.local @!p0 [hbm:s6], $0xF7A  }
0x23: {  	s9 =	sor.u32 $0xD0000000, s2;
	s6 =	simm.s32 $0x108;
	_ =	swait.ge @!p0 [sflag:s8], $0x0  }
0x24: {  	s3 =	sadd.s32 $0x88, s3;
	s6 =	simm.s32 @!p1 $0x1082;
	[sflag:s4] =	ssyncset.s32 $0xFFFFF086  }
0x25: {  	[simem:s6], [sflag:s4] =	dma.local [hbm:s3], $0xF7A  }
0x26: {  	[smem:$0x3F95] =	sst s1;
	(tag) =	ssettag s2;
	_ =	strace s9  }
0x27: {  	s1 =	sld [smem:$0x3FA5]  }
0x28: {  	s2 =	sld [smem:$0x3FA6]  }
0x29: {  	s4 =	sld [smem:$0x3FA8]  }
0x2a: {  	p0 =	seq.s32 s5, $0x0;
	s5 =	sld [smem:$0x3FA9]  }
0x2b: {  	s6 =	sld [smem:$0x3FAA]  }
0x2c: {  	s7 =	sld [smem:$0x3FAB]  }
0x2d: {  	s3 =	simm.s32 $0x108;
	s8 =	sld [smem:$0x3FAC]  }
0x2e: {  	s3 =	simm.s32 @!p0 $0x1082;
	s9 =	sld [smem:$0x3FAD]  }
0x2f: {  	lr =	sadd.s32 s0, s3;
	s0 =	sld [smem:$0x3FA4]  }
0x30: {  	s3 =	sld [smem:$0x3FA7]  }
0x31: {  	[smem:$0x3FB0] =	sst s10  }
0x32: {  	s10 =	sld [smem:$0x3FAE];
	_ =	sdelay $0x3  }
0x33: {  	p0 =	seq.s32 s10, $0x1;
	s10 =	sld [smem:$0x3FB0];
	_ =	sdelay $0x3  }
0x34: {  	[smem:$0x3FB0] =	sst s10  }
0x35: {  	s10 =	sld [smem:$0x3FAF];
	_ =	sdelay $0x3  }
0x36: {  	p1 =	seq.s32 s10, $0x1;
	s10 =	sld [smem:$0x3FB0];
	_ =	sdelay $0x3  }
0x37: {  	[smem:$0x3FB0] =	sst s10  }
0x38: {  	s10 =	sld [smem:$0x3FB1]  }
0x39: {  	_ = 	snop;
	(pc) =	sbr.ind lr, $3  }
0x3a: {  	_ = 	snop  }
0x3b: {  	_ = 	snop  }
0x3c: {  	p2 =	seq.s32 s10, $0x1;
	s10 =	sld [smem:$0x3FB0]  }
0x3d: {  	_ =	shalt  }
0x3e: {  	_ =	shalt  }
0x3f: {  	_ =	shalt  }
0x40: {  	_ =	shalt  }
0x41: {  	_ =	shalt  }
0x42: {  	_ =	shalt  }
0x43: {  	_ =	shalt  }
0x44: {  	_ =	shalt  }
0x45: {  	_ =	shalt  }
0x46: {  	_ =	shalt  }
0x47: {  	_ =	shalt  }
0x48: {  	_ =	shalt  }
0x49: {  	_ =	shalt  }
0x4a: {  	_ =	shalt  }
0x4b: {  	_ =	shalt  }
0x4c: {  	_ =	shalt  }
0x4d: {  	_ =	shalt  }
0x4e: {  	_ =	shalt  }
0x4f: {  	_ =	shalt  }
0x50: {  	_ =	shalt  }
0x51: {  	_ =	shalt  }
0x52: {  	_ =	shalt  }
0x53: {  	_ =	shalt  }
0x54: {  	_ =	shalt  }
0x55: {  	_ =	shalt  }
0x56: {  	_ =	shalt  }
0x57: {  	_ =	shalt  }
0x58: {  	_ =	shalt  }
0x59: {  	_ =	shalt  }
0x5a: {  	_ =	shalt  }
0x5b: {  	_ =	shalt  }
0x5c: {  	_ =	shalt  }
0x5d: {  	_ =	shalt  }
0x5e: {  	_ =	shalt  }
0x5f: {  	_ =	shalt  }
0x60: {  	_ =	shalt  }
0x61: {  	_ =	shalt  }
0x62: {  	_ =	shalt  }
0x63: {  	_ =	shalt  }
0x64: {  	_ =	shalt  }
0x65: {  	_ =	shalt  }
0x66: {  	_ =	shalt  }
0x67: {  	_ =	shalt  }
0x68: {  	_ =	shalt  }
0x69: {  	_ =	shalt  }
0x6a: {  	_ =	shalt  }
0x6b: {  	_ =	shalt  }
0x6c: {  	_ =	shalt  }
0x6d: {  	_ =	shalt  }
0x6e: {  	_ =	shalt  }
0x6f: {  	_ =	shalt  }
0x70: {  	_ =	shalt  }
0x71: {  	_ =	shalt  }
0x72: {  	_ =	shalt  }
0x73: {  	_ =	shalt  }
0x74: {  	_ =	shalt  }
0x75: {  	_ =	shalt  }
0x76: {  	_ =	shalt  }
0x77: {  	_ =	shalt  }
0x78: {  	_ =	shalt  }
0x79: {  	_ =	shalt  }
0x7a: {  	_ =	shalt  }
0x7b: {  	_ =	shalt  }
0x7c: {  	_ =	shalt  }
0x7d: {  	_ =	shalt  }
0x7e: {  	_ =	shalt  }
0x7f: {  	_ =	shalt  }
0x80: {  	_ =	shalt  }
0x81: {  	_ =	shalt  }
0x82: {  	_ =	shalt  }
0x83: {  	_ =	shalt  }
0x84: {  	_ =	shalt  }
0x85: {  	_ =	shalt  }
0x86: {  	_ =	shalt  }
0x87: {  	_ =	shalt  }
.Lfunc_end0:
.L_simem_size_0:
called_computation_lowered:
.L_overlay_start_0:
0x88: {  	s2 =	sld [smem:$0x3FD9]  }
0x89: {  	s3 =	sld [smem:$0x3FFE];
	_ =	sdelay $0x1  }
0x8a: {  	s1 =	srdreg.scid  }
0x8b: {  	s0 =	sand.u32 $0x1, s1  }
0x8c: {  	s16 =	sshll.u32 s0, $0xA;
	s2 =	sadd.s32 s3, s2  }
0x8d: {  	s2 =	sadd.s32 s2, s16  }
0x8e: {  	[smem:$0x3FBC] =	sst s2  }
0x8f: {  	_ = 	snop  }
0x90: {  	(tm) =	ssettm $0x1  }
0x91: {  	s17 =	sld [smem:$0x3FFB];
	_ =	sdelay $0x3  }
0x92: {  	_ =	strace s17  }
0x93: {  	s2 =	sld [smem:$0x3FFC];
	_ =	sdelay $0x3  }
0x94: {  	_ =	strace s2  }
0x95: {  	s2 =	sld [smem:$0x3FFD];
	_ =	sdelay $0x3  }
0x96: {  	_ =	strace s2  }
0x97: {  	_ =	strace $0x8FFFFFFF  }
0x98: {  	s18 =	sld [smem:$0x3FDB];
	_ =	sdelay $0x1  }
0x99: {  	s19 =	simm.s32 $_scs_section_size  }
0x9a: {  	s4 =	simm.s32 $_size__tile_overlayer_lowered;
	s5 =	simm.s32 $_tile_overlayer_lowered  }
0x9b: {  	s22 =	simm.s32 $0x1BFF;
	s21 =	sshll.u32 s5, $0x1;
	s2 =	sadd.s32 s19, s18  }
0x9c: {  	s6 =	simm.s32 $0x0;
	s20 =	sshll.u32 s4, $0x1;
	s4 =	sadd.s32 s21, s2  }
0x9d: {  	[timem:s6], [sflag:s22] =	dma.local [hbm:s4], s20  }
0x9e: {  	_ =	swait.ge [sflag:s22], s20  }
0x9f: {  	s3 =	ssub.s32 $0x0, s20;
	[sflag:s22] =	ssyncset.done $0x0  }
0xa0: {  	[sflag:s22] =	ssyncadd.s32 s3;
	_ =	sdelay $0x1  }
0xa1: {  	s23 =	simm.s32 $0x1B8B  }
0xa2: {  	_ =	swait.ge [sflag:s23], $0x1  }
0xa3: {  	[sflag:s23] =	ssyncset.done $0x0  }
0xa4: {  	s25 =	simm.s32 $0x1B8E;
	s24 =	sld [smem:$0x3FFE];
	[sflag:s23] =	ssyncadd.s32 $0xFFFFFFFF  }
0xa5: {  	s26 =	simm.s32 $execute0_lowered;
	[smem:$0x3FD2] =	sst s25  }
0xa6: {  	s4 =	sshll.u32 s26, $0x1;
	_ =	strace $0x80000046;
	[dreg:$0x1] =	wrdreg $0xFFFFFFFF  }
0xa7: {  	s28 =	simm.s32 $_size_execute0_lowered;
	s2 =	sadd.s32 s2, s4;
	[dreg:$0x0] =	wrdreg $0x0  }
0xa8: {  	s4 =	sshll.u32 s28, $0x1;
	[dreg:$0x2] =	wrdreg s2  }
0xa9: {  	[dreg:$0x3] =	wrdreg s4  }
0xaa: {  	[dreg:$0x4] =	wrdreg $0xC0  }
0xab: {  	_ =	task [dreg:s6], $0x5FFFF  }
0xac: {  	[dreg:$0x1] =	wrdreg $0xFFFFFFFF  }
0xad: {  	[dreg:$0x0] =	wrdreg $0x60  }
0xae: {  	[dreg:$0x2] =	wrdreg s24  }
0xaf: {  	[dreg:$0x3] =	wrdreg $0x90000  }
0xb0: {  	[dreg:$0x4] =	wrdreg $0x9  }
0xb1: {  	_ =	task.clear_ibuf [dreg:s6], $0x5FFFF;
	_ =	strace $0x90000046  }
0xb2: {  	s29 =	simm.s32 $0x9;
	_ =	strace $0x80000048  }
0xb3: {  	_ =	swait.ge [sflag:s29], $0x1  }
0xb4: {  	[sflag:s29] =	ssyncadd.s32 $0xFFFFFFFF  }
0xb5: {  	_ =	strace $0x90000048  }
0xb6: {  	_ =	sfence  }
0xb7: {  	s30 =	sld [smem:$0x0];
	_ =	sdelay $0x2  }
0xb8: {  	s31 =	sshll.u32 s1, $0xD;
	s1 =	sshrl.u32 s1, $0x2  }
0xb9: {  	s3 =	sand.u32 $0x4000, s31;
	s1 =	sadd.s32 s1, s30  }
0xba: {  	s0 =	sor.u32 s3, s0;
	s1 =	sshll.u32 s1, $0x11  }
0xbb: {  	s0 =	sor.u32 s1, s0  }
0xbc: {  	s0 =	sadd.s32 $0x8F2B, s0  }
0xbd: {  	[sflag:s0] =	ssyncadd.remote.s32 $0x1  }
0xbe: {  	_ =	sfence.sel $0xFFFF  }
0xbf: {  	[dreg:$0x0] =	wrdreg $0xFFFFFFFF;
	(pc) =	sbr.abs _section_cstart, $3  }
0xc0: {  	[dreg:$0x1] =	wrdreg $0xFFFFFFFF  }
0xc1: {  	_ =	task.clear_ibuf [dreg:s6], $0x2FFFF;
	_ =	strace $0x9FFFFFFF  }
0xc2: {  	(tm) =	ssettm $0x7FFFFFFF  }
0xc3: {  	_ =	shalt  }
tec
execute0_lowered:
.L_overlay_start_1:
0x0: {  	(tag) =	ssettag $0x1  }
0x1: {  	s0 =	srdreg.scid;
	s1 =	rddreg [dreg:$0x0]  }
0x2: {  	s10 =	stileid.u32;
	s2 =	rddreg [dreg:$0x1]  }
0x3: {  	s3 =	simm.s32 $0x0;
	s13 =	simm.s32 $0x100;
	s15 =	simm.s32 $0x880  }
0x4: {  	s17 =	simm.s32 $0x180;
	s18 =	simm.s32 $0x900;
	s19 =	simm.s32 $0x200  }
0x5: {  	s20 =	simm.s32 $0x980;
	s21 =	simm.s32 $0x280;
	[smem:$0x7FF] =	sst s3  }
0x6: {  	s22 =	simm.s32 $0xA00;
	_ =	strace $0x80000047;
	[dreg:$0x5] =	wrdreg s13  }
0x7: {  	s23 =	simm.s32 $0x300;
	s24 =	simm.s32 $0xA80;
	[dreg:$0x6] =	wrdreg s15  }
0x8: {  	s28 =	simm.s32 $0x680;
	s29 =	simm.s32 $0xE00;
	[dreg:$0x7] =	wrdreg s17  }
0x9: {  	s30 =	simm.s32 $0x700;
	s4 =	smul.u32 $0x5000, s10;
	[dreg:$0x8] =	wrdreg s18  }
0xa: {  	s31 =	simm.s32 $0xE80;
	s25 =	smul.u32 $0x14000, s10;
	[dreg:$0x9] =	wrdreg s19  }
0xb: {  	s0 =	sand.u32 $0x1, s0;
	s9 =	smul.u32 $0x50000, s10;
	[dreg:$0xa] =	wrdreg s20  }
0xc: {  	s16 =	sshll.u32 s10, $0x6;
	s5 =	smul.u32 $0x2800, s0;
	[dreg:$0xb] =	wrdreg s21  }
0xd: {  	s10 =	simm.s32 $0x3;
	s7 =	smul.u32 $0x140000, s0;
	[dreg:$0xc] =	wrdreg s22  }
0xe: {  	s0 =	ssub.s32 $0x2, s0;
	[dreg:$0xd] =	wrdreg s23;
	s13 =	simm.s32 $0x1000  }
0xf: {  	[dreg:$0xe] =	wrdreg s24;
	s15 =	simm.s32 $0x1;
	s17 =	simm.s32 $0x400  }
0x10: {  	s18 =	simm.s32 $0xB80;
	s19 =	simm.s32 $0x480;
	s20 =	simm.s32 $0xC00  }
0x11: {  	s21 =	simm.s32 $0x500;
	s22 =	simm.s32 $0xC80;
	s23 =	simm.s32 $0x580  }
0x12: {  	s24 =	simm.s32 $0xD00;
	s8 =	sshrl.u32 s25, $0x3;
	s26 =	sshrl.u32 s0, $0x1  }
0x13: {  	s9 =	sshrl.u32 s9, $0x2;
	s4 =	sadd.s32 s5, s4;
	s8 =	sadd.s32 s8, s1  }
0x14: {  	s5 =	sadd.s32 s25, s7;
	s0 =	ssub.s32 s0, s26;
	s12 =	sadd.s32 s9, s2  }
0x15: {  	s25 =	simm.s32 $0x380;
	s26 =	simm.s32 $0xB00;
	s9 =	simm.s32 $0x0  }
0x16: {  	s6 =	sshrl.u32 s4, $0x3;
	s4 =	sadd.s32 $0x2600, s1;
	s5 =	sshrl.u32 s5, $0x3  }
0x17: {  	s14 =	sadd.s32 $0x3D800, s8;
	s0 =	smax.u32 s0, $0x1;
	[dreg:$0xf] =	wrdreg s25  }
0x18: {  	s8 =	sshrl.u32 s12, $0x3;
	s12 =	simm.s32 $0x80;
	[dreg:$0x10] =	wrdreg s26  }
0x19: {  	s25 =	simm.s32 $0x600;
	s26 =	simm.s32 $0xD80;
	[dreg:$0x11] =	wrdreg s14  }
0x1a: {  	s6 =	sadd.s32 s6, s1;
	s1 =	sadd.s32 s5, s1;
	[dreg:$0x14] =	wrdreg s0  }
0x1b: {  	s14 =	simm.s32 $0x5000;
	[dreg:$0x15] =	wrdreg s8;
	s7 =	sadd.s32 $0x29800, s6  }
0x1c: {  	s0 =	simm.s32 $0xF00;
	s11 =	sadd.s32 $0x33800, s6;
	[dreg:$0x3] =	wrdreg s7  }
0x1d: {  	s5 =	simm.s32 $0xF80;
	s1 =	sadd.s32 $0x65800, s1;
	[dreg:$0x4] =	wrdreg s11  }
0x1e: {  	s7 =	sor.u32 $0x1C03, s16;
	[dreg:$0x13] =	wrdreg s1;
	s11 =	simm.s32 $0x800  }
0x1f: {  	s16 =	simm.s32 $0x2;
	s1 =	simm.s32 $0x780;
	[dreg:$0x12] =	wrdreg s7  }
.LBB2_1:
0x20: {  	[dreg:$0x16] =	wrdreg s9  }
0x21: {  	s6 =	rddreg [dreg:$0x11]  }
0x22: {  	[spmem:s8], [sflag:s7] =	dma.local [hbm:s6], $0x2800  }
0x23: {  	_ =	swait.ge [sflag:s10], $0x2800  }
0x24: {  	[sflag:s10] =	ssyncset.done $0x0  }
0x25: {  	[sflag:s10] =	ssyncadd.s32 $0xFFFFD800  }
0x26: {  	[bflag:$0x0] =	sbarrier.arrive $0xFFFF  }
0x27: {  	s8 =	rddreg [dreg:$0x4]  }
0x28: {  	s6 =	sadd.s32 $0x0, s8  }
0x29: {  	[tilespmem:s3], [sflag:$0x3] =	stream.linear.gather [hbm4b:s6+s3], $0x800, $0x38;
	[tilespmem:$0x1D000] =	vst v63  }
0x2a: {  	_ =	swait.ge [sflag:s10], $0x800  }
0x2b: {  	s9 =	rddreg [dreg:$0x3];
	[sflag:s10] =	ssyncset.done $0x0  }
0x2c: {  	[sflag:s10] =	ssyncadd.s32 $0xFFFFF800;
	s6 =	sadd.s32 $0x0, s9  }
0x2d: {  	[tilespmem:s11], [sflag:$0x3] =	stream.linear.gather [hbm4b:s6+s3], $0x800, $0x38;
	[tilespmem:$0x1D000] =	vst v63  }
0x2e: {  	_ =	swait.ge [sflag:s10], $0x800  }
0x2f: {  	[sflag:s10] =	ssyncset.done $0x0  }
0x30: {  	[sflag:s10] =	ssyncadd.s32 $0xFFFFF800  }
0x31: {  	[tilespmem:s13], [sflag:$0x1] =	stream.indirect.gather [hbm4b:s4+s12], $0x80, s3, s12, $0xb8;
	[tilespmem:$0x1D000] =	vst v63  }
0x32: {  	_ = 	snop  }
0x33: {  	[tilespmem:s14], [sflag:$0x2] =	stream.indirect.gather [hbm4b:s4+s12], $0x80, s12, s12, $0xb8;
	[tilespmem:$0x1D000] =	vst v63  }
0x34: {  	_ =	swait.ge [sflag:s15], $0x4000  }
0x35: {  	[sflag:s15] =	ssyncset.done $0x0  }
0x36: {  	[sflag:s15] =	ssyncadd.s32 $0xFFFFC000  }
0x37: {  	[spmem:s2] =	stream.indirect.scatter.add.f32 [tilespmem:s13], [sflag:$0x3], $0x80, s11, s12, $0xb8;
	[tilespmem:$0x1D000] =	vst v63  }
0x38: {  	_ =	swait.ge [sflag:s10], $0x4000  }
0x39: {  	[sflag:s10] =	ssyncset.done $0x0  }
0x3a: {  	s7 =	rddreg [dreg:$0x5];
	[sflag:s10] =	ssyncadd.s32 $0xFFFFC000  }
0x3b: {  	[tilespmem:s13], [sflag:$0x1] =	stream.indirect.gather [hbm4b:s4+s12], $0x80, s7, s12, $0xb8;
	[tilespmem:$0x1D000] =	vst v63  }
0x3c: {  	_ =	swait.ge [sflag:s16], $0x4000  }
0x3d: {  	[sflag:s16] =	ssyncset.done $0x0  }
0x3e: {  	s8 =	rddreg [dreg:$0x6];
	[sflag:s16] =	ssyncadd.s32 $0xFFFFC000  }
0x3f: {  	[spmem:s2] =	stream.indirect.scatter.add.f32 [tilespmem:s14], [sflag:$0x3], $0x80, s8, s12, $0xb8;
	[tilespmem:$0x1D000] =	vst v63  }
0x40: {  	_ =	swait.ge [sflag:s10], $0x4000  }
0x41: {  	[sflag:s10] =	ssyncset.done $0x0  }
0x42: {  	s9 =	rddreg [dreg:$0x7];
	[sflag:s10] =	ssyncadd.s32 $0xFFFFC000  }
0x43: {  	[tilespmem:s14], [sflag:$0x2] =	stream.indirect.gather [hbm4b:s4+s12], $0x80, s9, s12, $0xb8;
	[tilespmem:$0x1D000] =	vst v63  }
0x44: {  	_ =	swait.ge [sflag:s15], $0x4000  }
0x45: {  	[sflag:s15] =	ssyncset.done $0x0  }
0x46: {  	s7 =	rddreg [dreg:$0x8];
	[sflag:s15] =	ssyncadd.s32 $0xFFFFC000  }
0x47: {  	[spmem:s2] =	stream.indirect.scatter.add.f32 [tilespmem:s13], [sflag:$0x3], $0x80, s7, s12, $0xb8;
	[tilespmem:$0x1D000] =	vst v63  }
0x48: {  	_ =	swait.ge [sflag:s10], $0x4000  }
0x49: {  	[sflag:s10] =	ssyncset.done $0x0  }
0x4a: {  	s8 =	rddreg [dreg:$0x9];
	[sflag:s10] =	ssyncadd.s32 $0xFFFFC000  }
0x4b: {  	[tilespmem:s13], [sflag:$0x1] =	stream.indirect.gather [hbm4b:s4+s12], $0x80, s8, s12, $0xb8;
	[tilespmem:$0x1D000] =	vst v63  }
0x4c: {  	_ =	swait.ge [sflag:s16], $0x4000  }
0x4d: {  	[sflag:s16] =	ssyncset.done $0x0  }
0x4e: {  	s9 =	rddreg [dreg:$0xa];
	[sflag:s16] =	ssyncadd.s32 $0xFFFFC000  }
0x4f: {  	[spmem:s2] =	stream.indirect.scatter.add.f32 [tilespmem:s14], [sflag:$0x3], $0x80, s9, s12, $0xb8;
	[tilespmem:$0x1D000] =	vst v63  }
0x50: {  	_ =	swait.ge [sflag:s10], $0x4000  }
0x51: {  	[sflag:s10] =	ssyncset.done $0x0  }
0x52: {  	s7 =	rddreg [dreg:$0xb];
	[sflag:s10] =	ssyncadd.s32 $0xFFFFC000  }
0x53: {  	[tilespmem:s14], [sflag:$0x2] =	stream.indirect.gather [hbm4b:s4+s12], $0x80, s7, s12, $0xb8;
	[tilespmem:$0x1D000] =	vst v63  }
0x54: {  	_ =	swait.ge [sflag:s15], $0x4000  }
0x55: {  	[sflag:s15] =	ssyncset.done $0x0  }
0x56: {  	s8 =	rddreg [dreg:$0xc];
	[sflag:s15] =	ssyncadd.s32 $0xFFFFC000  }
0x57: {  	[spmem:s2] =	stream.indirect.scatter.add.f32 [tilespmem:s13], [sflag:$0x3], $0x80, s8, s12, $0xb8;
	[tilespmem:$0x1D000] =	vst v63  }
0x58: {  	_ =	swait.ge [sflag:s10], $0x4000  }
0x59: {  	[sflag:s10] =	ssyncset.done $0x0  }
0x5a: {  	s9 =	rddreg [dreg:$0xd];
	[sflag:s10] =	ssyncadd.s32 $0xFFFFC000  }
0x5b: {  	[tilespmem:s13], [sflag:$0x1] =	stream.indirect.gather [hbm4b:s4+s12], $0x80, s9, s12, $0xb8;
	[tilespmem:$0x1D000] =	vst v63  }
0x5c: {  	_ =	swait.ge [sflag:s16], $0x4000  }
0x5d: {  	[sflag:s16] =	ssyncset.done $0x0  }
0x5e: {  	s7 =	rddreg [dreg:$0xe];
	[sflag:s16] =	ssyncadd.s32 $0xFFFFC000  }
0x5f: {  	[spmem:s2] =	stream.indirect.scatter.add.f32 [tilespmem:s14], [sflag:$0x3], $0x80, s7, s12, $0xb8;
	[tilespmem:$0x1D000] =	vst v63  }
0x60: {  	_ =	swait.ge [sflag:s10], $0x4000  }
0x61: {  	[sflag:s10] =	ssyncset.done $0x0  }
0x62: {  	s8 =	rddreg [dreg:$0xf];
	[sflag:s10] =	ssyncadd.s32 $0xFFFFC000  }
0x63: {  	[tilespmem:s14], [sflag:$0x2] =	stream.indirect.gather [hbm4b:s4+s12], $0x80, s8, s12, $0xb8;
	[tilespmem:$0x1D000] =	vst v63  }
0x64: {  	_ =	swait.ge [sflag:s15], $0x4000  }
0x65: {  	[sflag:s15] =	ssyncset.done $0x0  }
0x66: {  	s9 =	rddreg [dreg:$0x10];
	[sflag:s15] =	ssyncadd.s32 $0xFFFFC000  }
0x67: {  	[spmem:s2] =	stream.indirect.scatter.add.f32 [tilespmem:s13], [sflag:$0x3], $0x80, s9, s12, $0xb8;
	[tilespmem:$0x1D000] =	vst v63  }
0x68: {  	_ =	swait.ge [sflag:s10], $0x4000  }
0x69: {  	[sflag:s10] =	ssyncset.done $0x0  }
0x6a: {  	[sflag:s10] =	ssyncadd.s32 $0xFFFFC000  }
0x6b: {  	[tilespmem:s13], [sflag:$0x1] =	stream.indirect.gather [hbm4b:s4+s12], $0x80, s17, s12, $0xb8;
	[tilespmem:$0x1D000] =	vst v63  }
0x6c: {  	_ =	swait.ge [sflag:s16], $0x4000  }
0x6d: {  	[sflag:s16] =	ssyncset.done $0x0  }
0x6e: {  	[sflag:s16] =	ssyncadd.s32 $0xFFFFC000  }
0x6f: {  	[spmem:s2] =	stream.indirect.scatter.add.f32 [tilespmem:s14], [sflag:$0x3], $0x80, s18, s12, $0xb8;
	[tilespmem:$0x1D000] =	vst v63  }
0x70: {  	_ =	swait.ge [sflag:s10], $0x4000  }
0x71: {  	[sflag:s10] =	ssyncset.done $0x0  }
0x72: {  	[sflag:s10] =	ssyncadd.s32 $0xFFFFC000  }
0x73: {  	[tilespmem:s14], [sflag:$0x2] =	stream.indirect.gather [hbm4b:s4+s12], $0x80, s19, s12, $0xb8;
	[tilespmem:$0x1D000] =	vst v63  }
0x74: {  	_ =	swait.ge [sflag:s15], $0x4000  }
0x75: {  	[sflag:s15] =	ssyncset.done $0x0  }
0x76: {  	[sflag:s15] =	ssyncadd.s32 $0xFFFFC000  }
0x77: {  	[spmem:s2] =	stream.indirect.scatter.add.f32 [tilespmem:s13], [sflag:$0x3], $0x80, s20, s12, $0xb8;
	[tilespmem:$0x1D000] =	vst v63  }
0x78: {  	_ =	swait.ge [sflag:s10], $0x4000  }
0x79: {  	[sflag:s10] =	ssyncset.done $0x0  }
0x7a: {  	[sflag:s10] =	ssyncadd.s32 $0xFFFFC000  }
0x7b: {  	[tilespmem:s13], [sflag:$0x1] =	stream.indirect.gather [hbm4b:s4+s12], $0x80, s21, s12, $0xb8;
	[tilespmem:$0x1D000] =	vst v63  }
0x7c: {  	_ =	swait.ge [sflag:s16], $0x4000  }
0x7d: {  	[sflag:s16] =	ssyncset.done $0x0  }
0x7e: {  	[sflag:s16] =	ssyncadd.s32 $0xFFFFC000  }
0x7f: {  	[spmem:s2] =	stream.indirect.scatter.add.f32 [tilespmem:s14], [sflag:$0x3], $0x80, s22, s12, $0xb8;
	[tilespmem:$0x1D000] =	vst v63  }
0x80: {  	_ =	swait.ge [sflag:s10], $0x4000  }
0x81: {  	[sflag:s10] =	ssyncset.done $0x0  }
0x82: {  	[sflag:s10] =	ssyncadd.s32 $0xFFFFC000  }
0x83: {  	[tilespmem:s14], [sflag:$0x2] =	stream.indirect.gather [hbm4b:s4+s12], $0x80, s23, s12, $0xb8;
	[tilespmem:$0x1D000] =	vst v63  }
0x84: {  	_ =	swait.ge [sflag:s15], $0x4000  }
0x85: {  	[sflag:s15] =	ssyncset.done $0x0  }
0x86: {  	[sflag:s15] =	ssyncadd.s32 $0xFFFFC000  }
0x87: {  	[spmem:s2] =	stream.indirect.scatter.add.f32 [tilespmem:s13], [sflag:$0x3], $0x80, s24, s12, $0xb8;
	[tilespmem:$0x1D000] =	vst v63  }
0x88: {  	_ =	swait.ge [sflag:s10], $0x4000  }
0x89: {  	[sflag:s10] =	ssyncset.done $0x0  }
0x8a: {  	[sflag:s10] =	ssyncadd.s32 $0xFFFFC000  }
0x8b: {  	[tilespmem:s13], [sflag:$0x1] =	stream.indirect.gather [hbm4b:s4+s12], $0x80, s25, s12, $0xb8;
	[tilespmem:$0x1D000] =	vst v63  }
0x8c: {  	_ =	swait.ge [sflag:s16], $0x4000  }
0x8d: {  	[sflag:s16] =	ssyncset.done $0x0  }
0x8e: {  	[sflag:s16] =	ssyncadd.s32 $0xFFFFC000  }
0x8f: {  	[spmem:s2] =	stream.indirect.scatter.add.f32 [tilespmem:s14], [sflag:$0x3], $0x80, s26, s12, $0xb8;
	[tilespmem:$0x1D000] =	vst v63  }
0x90: {  	_ =	swait.ge [sflag:s10], $0x4000  }
0x91: {  	[sflag:s10] =	ssyncset.done $0x0  }
0x92: {  	[sflag:s10] =	ssyncadd.s32 $0xFFFFC000  }
0x93: {  	[tilespmem:s14], [sflag:$0x2] =	stream.indirect.gather [hbm4b:s4+s12], $0x80, s28, s12, $0xb8;
	[tilespmem:$0x1D000] =	vst v63  }
0x94: {  	_ =	swait.ge [sflag:s15], $0x4000  }
0x95: {  	[sflag:s15] =	ssyncset.done $0x0  }
0x96: {  	[sflag:s15] =	ssyncadd.s32 $0xFFFFC000  }
0x97: {  	[spmem:s2] =	stream.indirect.scatter.add.f32 [tilespmem:s13], [sflag:$0x3], $0x80, s29, s12, $0xb8;
	[tilespmem:$0x1D000] =	vst v63  }
0x98: {  	_ =	swait.ge [sflag:s10], $0x4000  }
0x99: {  	[sflag:s10] =	ssyncset.done $0x0  }
0x9a: {  	[sflag:s10] =	ssyncadd.s32 $0xFFFFC000  }
0x9b: {  	[tilespmem:s13], [sflag:$0x1] =	stream.indirect.gather [hbm4b:s4+s12], $0x80, s30, s12, $0xb8;
	[tilespmem:$0x1D000] =	vst v63  }
0x9c: {  	_ =	swait.ge [sflag:s16], $0x4000  }
0x9d: {  	[sflag:s16] =	ssyncset.done $0x0  }
0x9e: {  	[sflag:s16] =	ssyncadd.s32 $0xFFFFC000  }
0x9f: {  	[spmem:s2] =	stream.indirect.scatter.add.f32 [tilespmem:s14], [sflag:$0x3], $0x80, s31, s12, $0xb8;
	[tilespmem:$0x1D000] =	vst v63  }
0xa0: {  	_ =	swait.ge [sflag:s10], $0x4000  }
0xa1: {  	[sflag:s10] =	ssyncset.done $0x0  }
0xa2: {  	[sflag:s10] =	ssyncadd.s32 $0xFFFFC000  }
0xa3: {  	[tilespmem:s14], [sflag:$0x2] =	stream.indirect.gather [hbm4b:s4+s12], $0x80, s1, s12, $0xb8;
	[tilespmem:$0x1D000] =	vst v63  }
0xa4: {  	_ =	swait.ge [sflag:s15], $0x4000  }
0xa5: {  	[sflag:s15] =	ssyncset.done $0x0  }
0xa6: {  	[sflag:s15] =	ssyncadd.s32 $0xFFFFC000  }
0xa7: {  	[spmem:s2] =	stream.indirect.scatter.add.f32 [tilespmem:s13], [sflag:$0x3], $0x80, s0, s12, $0xb8;
	[tilespmem:$0x1D000] =	vst v63  }
0xa8: {  	_ =	swait.ge [sflag:s10], $0x4000  }
0xa9: {  	[sflag:s10] =	ssyncset.done $0x0  }
0xaa: {  	[sflag:s10] =	ssyncadd.s32 $0xFFFFC000  }
0xab: {  	_ =	swait.ge [sflag:s16], $0x4000  }
0xac: {  	[sflag:s16] =	ssyncset.done $0x0  }
0xad: {  	[sflag:s16] =	ssyncadd.s32 $0xFFFFC000  }
0xae: {  	[spmem:s2] =	stream.indirect.scatter.add.f32 [tilespmem:s14], [sflag:$0x3], $0x80, s5, s12, $0xb8;
	[tilespmem:$0x1D000] =	vst v63  }
0xaf: {  	s6 =	simm.s32 $0x200;
	_ =	swait.ge [sflag:s10], $0x4000  }
0xb0: {  	s8 =	simm.s32 $0x100;
	s9 =	rddreg [dreg:$0x4];
	[sflag:s10] =	ssyncset.done $0x0  }
.LBB2_2:
0xb1: {  	[sflag:s10] =	ssyncadd.s32 $0xFFFFC000;
	s9 =	sadd.s32 s8, s9  }
0xb2: {  	[tilespmem:s3], [sflag:$0x3] =	stream.linear.gather [hbm4b:s9+s3], $0x800, $0x38;
	[tilespmem:$0x1D000] =	vst v63  }
0xb3: {  	_ =	swait.ge [sflag:s10], $0x800  }
0xb4: {  	s9 =	rddreg [dreg:$0x3];
	[sflag:s10] =	ssyncset.done $0x0  }
0xb5: {  	[sflag:s10] =	ssyncadd.s32 $0xFFFFF800;
	s9 =	sadd.s32 s8, s9  }
0xb6: {  	[tilespmem:s11], [sflag:$0x3] =	stream.linear.gather [hbm4b:s9+s3], $0x800, $0x38;
	[tilespmem:$0x1D000] =	vst v63  }
0xb7: {  	_ =	swait.ge [sflag:s10], $0x800  }
0xb8: {  	[sflag:s10] =	ssyncset.done $0x0  }
0xb9: {  	[sflag:s10] =	ssyncadd.s32 $0xFFFFF800  }
0xba: {  	[tilespmem:s13], [sflag:$0x1] =	stream.indirect.gather [hbm4b:s4+s12], $0x80, s3, s12, $0xb8;
	[tilespmem:$0x1D000] =	vst v63  }
0xbb: {  	_ = 	snop  }
0xbc: {  	[tilespmem:s14], [sflag:$0x2] =	stream.indirect.gather [hbm4b:s4+s12], $0x80, s12, s12, $0xb8;
	[tilespmem:$0x1D000] =	vst v63  }
0xbd: {  	_ =	swait.ge [sflag:s15], $0x4000  }
0xbe: {  	[sflag:s15] =	ssyncset.done $0x0  }
0xbf: {  	[sflag:s15] =	ssyncadd.s32 $0xFFFFC000  }
0xc0: {  	[spmem:s2] =	stream.indirect.scatter.add.f32 [tilespmem:s13], [sflag:$0x3], $0x80, s11, s12, $0xb8;
	[tilespmem:$0x1D000] =	vst v63  }
0xc1: {  	_ =	swait.ge [sflag:s10], $0x4000  }
0xc2: {  	[sflag:s10] =	ssyncset.done $0x0  }
0xc3: {  	s9 =	rddreg [dreg:$0x5];
	[sflag:s10] =	ssyncadd.s32 $0xFFFFC000  }
0xc4: {  	[tilespmem:s13], [sflag:$0x1] =	stream.indirect.gather [hbm4b:s4+s12], $0x80, s9, s12, $0xb8;
	[tilespmem:$0x1D000] =	vst v63  }
0xc5: {  	_ =	swait.ge [sflag:s16], $0x4000  }
0xc6: {  	[sflag:s16] =	ssyncset.done $0x0  }
0xc7: {  	s9 =	rddreg [dreg:$0x6];
	[sflag:s16] =	ssyncadd.s32 $0xFFFFC000  }
0xc8: {  	[spmem:s2] =	stream.indirect.scatter.add.f32 [tilespmem:s14], [sflag:$0x3], $0x80, s9, s12, $0xb8;
	[tilespmem:$0x1D000] =	vst v63  }
0xc9: {  	_ =	swait.ge [sflag:s10], $0x4000  }
0xca: {  	[sflag:s10] =	ssyncset.done $0x0  }
0xcb: {  	s9 =	rddreg [dreg:$0x7];
	[sflag:s10] =	ssyncadd.s32 $0xFFFFC000  }
0xcc: {  	[tilespmem:s14], [sflag:$0x2] =	stream.indirect.gather [hbm4b:s4+s12], $0x80, s9, s12, $0xb8;
	[tilespmem:$0x1D000] =	vst v63  }
0xcd: {  	_ =	swait.ge [sflag:s15], $0x4000  }
0xce: {  	[sflag:s15] =	ssyncset.done $0x0  }
0xcf: {  	s9 =	rddreg [dreg:$0x8];
	[sflag:s15] =	ssyncadd.s32 $0xFFFFC000  }
0xd0: {  	[spmem:s2] =	stream.indirect.scatter.add.f32 [tilespmem:s13], [sflag:$0x3], $0x80, s9, s12, $0xb8;
	[tilespmem:$0x1D000] =	vst v63  }
0xd1: {  	_ =	swait.ge [sflag:s10], $0x4000  }
0xd2: {  	[sflag:s10] =	ssyncset.done $0x0  }
0xd3: {  	s9 =	rddreg [dreg:$0x9];
	[sflag:s10] =	ssyncadd.s32 $0xFFFFC000  }
0xd4: {  	[tilespmem:s13], [sflag:$0x1] =	stream.indirect.gather [hbm4b:s4+s12], $0x80, s9, s12, $0xb8;
	[tilespmem:$0x1D000] =	vst v63  }
0xd5: {  	_ =	swait.ge [sflag:s16], $0x4000  }
0xd6: {  	[sflag:s16] =	ssyncset.done $0x0  }
0xd7: {  	s9 =	rddreg [dreg:$0xa];
	[sflag:s16] =	ssyncadd.s32 $0xFFFFC000  }
0xd8: {  	[spmem:s2] =	stream.indirect.scatter.add.f32 [tilespmem:s14], [sflag:$0x3], $0x80, s9, s12, $0xb8;
	[tilespmem:$0x1D000] =	vst v63  }
0xd9: {  	_ =	swait.ge [sflag:s10], $0x4000  }
0xda: {  	[sflag:s10] =	ssyncset.done $0x0  }
0xdb: {  	s9 =	rddreg [dreg:$0xb];
	[sflag:s10] =	ssyncadd.s32 $0xFFFFC000  }
0xdc: {  	[tilespmem:s14], [sflag:$0x2] =	stream.indirect.gather [hbm4b:s4+s12], $0x80, s9, s12, $0xb8;
	[tilespmem:$0x1D000] =	vst v63  }
0xdd: {  	_ =	swait.ge [sflag:s15], $0x4000  }
0xde: {  	[sflag:s15] =	ssyncset.done $0x0  }
0xdf: {  	s9 =	rddreg [dreg:$0xc];
	[sflag:s15] =	ssyncadd.s32 $0xFFFFC000  }
0xe0: {  	[spmem:s2] =	stream.indirect.scatter.add.f32 [tilespmem:s13], [sflag:$0x3], $0x80, s9, s12, $0xb8;
	[tilespmem:$0x1D000] =	vst v63  }
0xe1: {  	_ =	swait.ge [sflag:s10], $0x4000  }
0xe2: {  	[sflag:s10] =	ssyncset.done $0x0  }
0xe3: {  	s9 =	rddreg [dreg:$0xd];
	[sflag:s10] =	ssyncadd.s32 $0xFFFFC000  }
0xe4: {  	[tilespmem:s13], [sflag:$0x1] =	stream.indirect.gather [hbm4b:s4+s12], $0x80, s9, s12, $0xb8;
	[tilespmem:$0x1D000] =	vst v63  }
0xe5: {  	_ =	swait.ge [sflag:s16], $0x4000  }
0xe6: {  	[sflag:s16] =	ssyncset.done $0x0  }
0xe7: {  	s9 =	rddreg [dreg:$0xe];
	[sflag:s16] =	ssyncadd.s32 $0xFFFFC000  }
0xe8: {  	[spmem:s2] =	stream.indirect.scatter.add.f32 [tilespmem:s14], [sflag:$0x3], $0x80, s9, s12, $0xb8;
	[tilespmem:$0x1D000] =	vst v63  }
0xe9: {  	_ =	swait.ge [sflag:s10], $0x4000  }
0xea: {  	[sflag:s10] =	ssyncset.done $0x0  }
0xeb: {  	s9 =	rddreg [dreg:$0xf];
	[sflag:s10] =	ssyncadd.s32 $0xFFFFC000  }
0xec: {  	[tilespmem:s14], [sflag:$0x2] =	stream.indirect.gather [hbm4b:s4+s12], $0x80, s9, s12, $0xb8;
	[tilespmem:$0x1D000] =	vst v63  }
0xed: {  	_ =	swait.ge [sflag:s15], $0x4000  }
0xee: {  	[sflag:s15] =	ssyncset.done $0x0  }
0xef: {  	s9 =	rddreg [dreg:$0x10];
	[sflag:s15] =	ssyncadd.s32 $0xFFFFC000  }
0xf0: {  	[spmem:s2] =	stream.indirect.scatter.add.f32 [tilespmem:s13], [sflag:$0x3], $0x80, s9, s12, $0xb8;
	[tilespmem:$0x1D000] =	vst v63  }
0xf1: {  	_ =	swait.ge [sflag:s10], $0x4000  }
0xf2: {  	[sflag:s10] =	ssyncset.done $0x0  }
0xf3: {  	[sflag:s10] =	ssyncadd.s32 $0xFFFFC000  }
0xf4: {  	[tilespmem:s13], [sflag:$0x1] =	stream.indirect.gather [hbm4b:s4+s12], $0x80, s17, s12, $0xb8;
	[tilespmem:$0x1D000] =	vst v63  }
0xf5: {  	_ =	swait.ge [sflag:s16], $0x4000  }
0xf6: {  	[sflag:s16] =	ssyncset.done $0x0  }
0xf7: {  	[sflag:s16] =	ssyncadd.s32 $0xFFFFC000  }
0xf8: {  	[spmem:s2] =	stream.indirect.scatter.add.f32 [tilespmem:s14], [sflag:$0x3], $0x80, s18, s12, $0xb8;
	[tilespmem:$0x1D000] =	vst v63  }
0xf9: {  	_ =	swait.ge [sflag:s10], $0x4000  }
0xfa: {  	[sflag:s10] =	ssyncset.done $0x0  }
0xfb: {  	[sflag:s10] =	ssyncadd.s32 $0xFFFFC000  }
0xfc: {  	[tilespmem:s14], [sflag:$0x2] =	stream.indirect.gather [hbm4b:s4+s12], $0x80, s19, s12, $0xb8;
	[tilespmem:$0x1D000] =	vst v63  }
0xfd: {  	_ =	swait.ge [sflag:s15], $0x4000  }
0xfe: {  	[sflag:s15] =	ssyncset.done $0x0  }
0xff: {  	[sflag:s15] =	ssyncadd.s32 $0xFFFFC000  }
0x100: {  	[spmem:s2] =	stream.indirect.scatter.add.f32 [tilespmem:s13], [sflag:$0x3], $0x80, s20, s12, $0xb8;
	[tilespmem:$0x1D000] =	vst v63  }
0x101: {  	_ =	swait.ge [sflag:s10], $0x4000  }
0x102: {  	[sflag:s10] =	ssyncset.done $0x0  }
0x103: {  	[sflag:s10] =	ssyncadd.s32 $0xFFFFC000  }
0x104: {  	[tilespmem:s13], [sflag:$0x1] =	stream.indirect.gather [hbm4b:s4+s12], $0x80, s21, s12, $0xb8;
	[tilespmem:$0x1D000] =	vst v63  }
0x105: {  	_ =	swait.ge [sflag:s16], $0x4000  }
0x106: {  	[sflag:s16] =	ssyncset.done $0x0  }
0x107: {  	[sflag:s16] =	ssyncadd.s32 $0xFFFFC000  }
0x108: {  	[spmem:s2] =	stream.indirect.scatter.add.f32 [tilespmem:s14], [sflag:$0x3], $0x80, s22, s12, $0xb8;
	[tilespmem:$0x1D000] =	vst v63  }
0x109: {  	_ =	swait.ge [sflag:s10], $0x4000  }
0x10a: {  	[sflag:s10] =	ssyncset.done $0x0  }
0x10b: {  	[sflag:s10] =	ssyncadd.s32 $0xFFFFC000  }
0x10c: {  	[tilespmem:s14], [sflag:$0x2] =	stream.indirect.gather [hbm4b:s4+s12], $0x80, s23, s12, $0xb8;
	[tilespmem:$0x1D000] =	vst v63  }
0x10d: {  	_ =	swait.ge [sflag:s15], $0x4000  }
0x10e: {  	[sflag:s15] =	ssyncset.done $0x0  }
0x10f: {  	[sflag:s15] =	ssyncadd.s32 $0xFFFFC000  }
0x110: {  	[spmem:s2] =	stream.indirect.scatter.add.f32 [tilespmem:s13], [sflag:$0x3], $0x80, s24, s12, $0xb8;
	[tilespmem:$0x1D000] =	vst v63  }
0x111: {  	_ =	swait.ge [sflag:s10], $0x4000  }
0x112: {  	[sflag:s10] =	ssyncset.done $0x0  }
0x113: {  	[sflag:s10] =	ssyncadd.s32 $0xFFFFC000  }
0x114: {  	[tilespmem:s13], [sflag:$0x1] =	stream.indirect.gather [hbm4b:s4+s12], $0x80, s25, s12, $0xb8;
	[tilespmem:$0x1D000] =	vst v63  }
0x115: {  	_ =	swait.ge [sflag:s16], $0x4000  }
0x116: {  	[sflag:s16] =	ssyncset.done $0x0  }
0x117: {  	[sflag:s16] =	ssyncadd.s32 $0xFFFFC000  }
0x118: {  	[spmem:s2] =	stream.indirect.scatter.add.f32 [tilespmem:s14], [sflag:$0x3], $0x80, s26, s12, $0xb8;
	[tilespmem:$0x1D000] =	vst v63  }
0x119: {  	_ =	swait.ge [sflag:s10], $0x4000  }
0x11a: {  	[sflag:s10] =	ssyncset.done $0x0  }
0x11b: {  	[sflag:s10] =	ssyncadd.s32 $0xFFFFC000  }
0x11c: {  	[tilespmem:s14], [sflag:$0x2] =	stream.indirect.gather [hbm4b:s4+s12], $0x80, s28, s12, $0xb8;
	[tilespmem:$0x1D000] =	vst v63  }
0x11d: {  	_ =	swait.ge [sflag:s15], $0x4000  }
0x11e: {  	[sflag:s15] =	ssyncset.done $0x0  }
0x11f: {  	[sflag:s15] =	ssyncadd.s32 $0xFFFFC000  }
0x120: {  	[spmem:s2] =	stream.indirect.scatter.add.f32 [tilespmem:s13], [sflag:$0x3], $0x80, s29, s12, $0xb8;
	[tilespmem:$0x1D000] =	vst v63  }
0x121: {  	_ =	swait.ge [sflag:s10], $0x4000  }
0x122: {  	[sflag:s10] =	ssyncset.done $0x0  }
0x123: {  	[sflag:s10] =	ssyncadd.s32 $0xFFFFC000  }
0x124: {  	[tilespmem:s13], [sflag:$0x1] =	stream.indirect.gather [hbm4b:s4+s12], $0x80, s30, s12, $0xb8;
	[tilespmem:$0x1D000] =	vst v63  }
0x125: {  	_ =	swait.ge [sflag:s16], $0x4000  }
0x126: {  	[sflag:s16] =	ssyncset.done $0x0  }
0x127: {  	[sflag:s16] =	ssyncadd.s32 $0xFFFFC000  }
0x128: {  	[spmem:s2] =	stream.indirect.scatter.add.f32 [tilespmem:s14], [sflag:$0x3], $0x80, s31, s12, $0xb8;
	[tilespmem:$0x1D000] =	vst v63  }
0x129: {  	_ =	swait.ge [sflag:s10], $0x4000  }
0x12a: {  	[sflag:s10] =	ssyncset.done $0x0  }
0x12b: {  	[sflag:s10] =	ssyncadd.s32 $0xFFFFC000  }
0x12c: {  	[tilespmem:s14], [sflag:$0x2] =	stream.indirect.gather [hbm4b:s4+s12], $0x80, s1, s12, $0xb8;
	[tilespmem:$0x1D000] =	vst v63  }
0x12d: {  	_ =	swait.ge [sflag:s15], $0x4000  }
0x12e: {  	[sflag:s15] =	ssyncset.done $0x0  }
0x12f: {  	[sflag:s15] =	ssyncadd.s32 $0xFFFFC000  }
0x130: {  	[spmem:s2] =	stream.indirect.scatter.add.f32 [tilespmem:s13], [sflag:$0x3], $0x80, s0, s12, $0xb8;
	[tilespmem:$0x1D000] =	vst v63  }
0x131: {  	_ =	swait.ge [sflag:s10], $0x4000  }
0x132: {  	[sflag:s10] =	ssyncset.done $0x0  }
0x133: {  	[sflag:s10] =	ssyncadd.s32 $0xFFFFC000  }
0x134: {  	p0 =	sne.s32 s6, $0x400;
	_ =	swait.ge [sflag:s16], $0x4000  }
.Ltmp0:
0x135: {  	[sflag:s16] =	ssyncset.done $0x0;
	(pc) =	sbr.rel @p0 .LBB2_2-.Ltmp0, $4  }
0x136: {  	[sflag:s16] =	ssyncadd.s32 $0xFFFFC000  }
0x137: {  	[spmem:s2] =	stream.indirect.scatter.add.f32 [tilespmem:s14], [sflag:$0x3], $0x80, s5, s12, $0xb8;
	[tilespmem:$0x1D000] =	vst v63  }
0x138: {  	s7 =	smov.u32 s6;
	s6 =	sadd.s32 $0x100, s6;
	_ =	swait.ge [sflag:s10], $0x4000  }
0x139: {  	s8 =	smov.u32 s7;
	s9 =	rddreg [dreg:$0x4];
	[sflag:s10] =	ssyncset.done $0x0  }
0x13a: {  	[sflag:s10] =	ssyncadd.s32 $0xFFFFC000;
	s6 =	sadd.s32 s8, s9  }
0x13b: {  	[tilespmem:s3], [sflag:$0x3] =	stream.linear.gather [hbm4b:s6+s3], $0x800, $0x38;
	[tilespmem:$0x1D000] =	vst v63  }
0x13c: {  	_ =	swait.ge [sflag:s10], $0x800  }
0x13d: {  	s7 =	rddreg [dreg:$0x3];
	[sflag:s10] =	ssyncset.done $0x0  }
0x13e: {  	s6 =	sadd.s32 s8, s7;
	[sflag:s10] =	ssyncadd.s32 $0xFFFFF800  }
0x13f: {  	[tilespmem:s11], [sflag:$0x3] =	stream.linear.gather [hbm4b:s6+s3], $0x800, $0x38;
	[tilespmem:$0x1D000] =	vst v63  }
0x140: {  	_ =	swait.ge [sflag:s10], $0x800  }
0x141: {  	[sflag:s10] =	ssyncset.done $0x0  }
0x142: {  	[sflag:s10] =	ssyncadd.s32 $0xFFFFF800  }
0x143: {  	[tilespmem:s13], [sflag:$0x1] =	stream.indirect.gather [hbm4b:s4+s12], $0x80, s3, s12, $0xb8;
	[tilespmem:$0x1D000] =	vst v63  }
0x144: {  	_ = 	snop  }
0x145: {  	[tilespmem:s14], [sflag:$0x2] =	stream.indirect.gather [hbm4b:s4+s12], $0x80, s12, s12, $0xb8;
	[tilespmem:$0x1D000] =	vst v63  }
0x146: {  	_ =	swait.ge [sflag:s15], $0x4000  }
0x147: {  	[sflag:s15] =	ssyncset.done $0x0  }
0x148: {  	[sflag:s15] =	ssyncadd.s32 $0xFFFFC000  }
0x149: {  	[spmem:s2] =	stream.indirect.scatter.add.f32 [tilespmem:s13], [sflag:$0x3], $0x80, s11, s12, $0xb8;
	[tilespmem:$0x1D000] =	vst v63  }
0x14a: {  	_ =	swait.ge [sflag:s10], $0x4000  }
0x14b: {  	[sflag:s10] =	ssyncset.done $0x0  }
0x14c: {  	s9 =	rddreg [dreg:$0x5];
	[sflag:s10] =	ssyncadd.s32 $0xFFFFC000  }
0x14d: {  	[tilespmem:s13], [sflag:$0x1] =	stream.indirect.gather [hbm4b:s4+s12], $0x80, s9, s12, $0xb8;
	[tilespmem:$0x1D000] =	vst v63  }
0x14e: {  	_ =	swait.ge [sflag:s16], $0x4000  }
0x14f: {  	[sflag:s16] =	ssyncset.done $0x0  }
0x150: {  	s7 =	rddreg [dreg:$0x6];
	[sflag:s16] =	ssyncadd.s32 $0xFFFFC000  }
0x151: {  	[spmem:s2] =	stream.indirect.scatter.add.f32 [tilespmem:s14], [sflag:$0x3], $0x80, s7, s12, $0xb8;
	[tilespmem:$0x1D000] =	vst v63  }
0x152: {  	_ =	swait.ge [sflag:s10], $0x4000  }
0x153: {  	[sflag:s10] =	ssyncset.done $0x0  }
0x154: {  	s8 =	rddreg [dreg:$0x7];
	[sflag:s10] =	ssyncadd.s32 $0xFFFFC000  }
0x155: {  	[tilespmem:s14], [sflag:$0x2] =	stream.indirect.gather [hbm4b:s4+s12], $0x80, s8, s12, $0xb8;
	[tilespmem:$0x1D000] =	vst v63  }
0x156: {  	_ =	swait.ge [sflag:s15], $0x4000  }
0x157: {  	[sflag:s15] =	ssyncset.done $0x0  }
0x158: {  	s9 =	rddreg [dreg:$0x8];
	[sflag:s15] =	ssyncadd.s32 $0xFFFFC000  }
0x159: {  	[spmem:s2] =	stream.indirect.scatter.add.f32 [tilespmem:s13], [sflag:$0x3], $0x80, s9, s12, $0xb8;
	[tilespmem:$0x1D000] =	vst v63  }
0x15a: {  	_ =	swait.ge [sflag:s10], $0x4000  }
0x15b: {  	[sflag:s10] =	ssyncset.done $0x0  }
0x15c: {  	s7 =	rddreg [dreg:$0x9];
	[sflag:s10] =	ssyncadd.s32 $0xFFFFC000  }
0x15d: {  	[tilespmem:s13], [sflag:$0x1] =	stream.indirect.gather [hbm4b:s4+s12], $0x80, s7, s12, $0xb8;
	[tilespmem:$0x1D000] =	vst v63  }
0x15e: {  	_ =	swait.ge [sflag:s16], $0x4000  }
0x15f: {  	[sflag:s16] =	ssyncset.done $0x0  }
0x160: {  	s8 =	rddreg [dreg:$0xa];
	[sflag:s16] =	ssyncadd.s32 $0xFFFFC000  }
0x161: {  	[spmem:s2] =	stream.indirect.scatter.add.f32 [tilespmem:s14], [sflag:$0x3], $0x80, s8, s12, $0xb8;
	[tilespmem:$0x1D000] =	vst v63  }
0x162: {  	_ =	swait.ge [sflag:s10], $0x4000  }
0x163: {  	[sflag:s10] =	ssyncset.done $0x0  }
0x164: {  	s9 =	rddreg [dreg:$0xb];
	[sflag:s10] =	ssyncadd.s32 $0xFFFFC000  }
0x165: {  	[tilespmem:s14], [sflag:$0x2] =	stream.indirect.gather [hbm4b:s4+s12], $0x80, s9, s12, $0xb8;
	[tilespmem:$0x1D000] =	vst v63  }
0x166: {  	_ =	swait.ge [sflag:s15], $0x4000  }
0x167: {  	[sflag:s15] =	ssyncset.done $0x0  }
0x168: {  	s7 =	rddreg [dreg:$0xc];
	[sflag:s15] =	ssyncadd.s32 $0xFFFFC000  }
0x169: {  	[spmem:s2] =	stream.indirect.scatter.add.f32 [tilespmem:s13], [sflag:$0x3], $0x80, s7, s12, $0xb8;
	[tilespmem:$0x1D000] =	vst v63  }
0x16a: {  	_ =	swait.ge [sflag:s10], $0x4000  }
0x16b: {  	[sflag:s10] =	ssyncset.done $0x0  }
0x16c: {  	s8 =	rddreg [dreg:$0xd];
	[sflag:s10] =	ssyncadd.s32 $0xFFFFC000  }
0x16d: {  	[tilespmem:s13], [sflag:$0x1] =	stream.indirect.gather [hbm4b:s4+s12], $0x80, s8, s12, $0xb8;
	[tilespmem:$0x1D000] =	vst v63  }
0x16e: {  	_ =	swait.ge [sflag:s16], $0x4000  }
0x16f: {  	[sflag:s16] =	ssyncset.done $0x0  }
0x170: {  	s9 =	rddreg [dreg:$0xe];
	[sflag:s16] =	ssyncadd.s32 $0xFFFFC000  }
0x171: {  	[spmem:s2] =	stream.indirect.scatter.add.f32 [tilespmem:s14], [sflag:$0x3], $0x80, s9, s12, $0xb8;
	[tilespmem:$0x1D000] =	vst v63  }
0x172: {  	_ =	swait.ge [sflag:s10], $0x4000  }
0x173: {  	[sflag:s10] =	ssyncset.done $0x0  }
0x174: {  	s7 =	rddreg [dreg:$0xf];
	[sflag:s10] =	ssyncadd.s32 $0xFFFFC000  }
0x175: {  	[tilespmem:s14], [sflag:$0x2] =	stream.indirect.gather [hbm4b:s4+s12], $0x80, s7, s12, $0xb8;
	[tilespmem:$0x1D000] =	vst v63  }
0x176: {  	_ =	swait.ge [sflag:s15], $0x4000  }
0x177: {  	[sflag:s15] =	ssyncset.done $0x0  }
0x178: {  	s8 =	rddreg [dreg:$0x10];
	[sflag:s15] =	ssyncadd.s32 $0xFFFFC000  }
0x179: {  	[spmem:s2] =	stream.indirect.scatter.add.f32 [tilespmem:s13], [sflag:$0x3], $0x80, s8, s12, $0xb8;
	[tilespmem:$0x1D000] =	vst v63  }
0x17a: {  	_ =	swait.ge [sflag:s10], $0x4000  }
0x17b: {  	[sflag:s10] =	ssyncset.done $0x0  }
0x17c: {  	[sflag:s10] =	ssyncadd.s32 $0xFFFFC000  }
0x17d: {  	[tilespmem:s13], [sflag:$0x1] =	stream.indirect.gather [hbm4b:s4+s12], $0x80, s17, s12, $0xb8;
	[tilespmem:$0x1D000] =	vst v63  }
0x17e: {  	_ =	swait.ge [sflag:s16], $0x4000  }
0x17f: {  	[sflag:s16] =	ssyncset.done $0x0  }
0x180: {  	[sflag:s16] =	ssyncadd.s32 $0xFFFFC000  }
0x181: {  	[spmem:s2] =	stream.indirect.scatter.add.f32 [tilespmem:s14], [sflag:$0x3], $0x80, s18, s12, $0xb8;
	[tilespmem:$0x1D000] =	vst v63  }
0x182: {  	_ =	swait.ge [sflag:s10], $0x4000  }
0x183: {  	[sflag:s10] =	ssyncset.done $0x0  }
0x184: {  	[sflag:s10] =	ssyncadd.s32 $0xFFFFC000  }
0x185: {  	[tilespmem:s14], [sflag:$0x2] =	stream.indirect.gather [hbm4b:s4+s12], $0x80, s19, s12, $0xb8;
	[tilespmem:$0x1D000] =	vst v63  }
0x186: {  	_ =	swait.ge [sflag:s15], $0x4000  }
0x187: {  	[sflag:s15] =	ssyncset.done $0x0  }
0x188: {  	[sflag:s15] =	ssyncadd.s32 $0xFFFFC000  }
0x189: {  	[spmem:s2] =	stream.indirect.scatter.add.f32 [tilespmem:s13], [sflag:$0x3], $0x80, s20, s12, $0xb8;
	[tilespmem:$0x1D000] =	vst v63  }
0x18a: {  	_ =	swait.ge [sflag:s10], $0x4000  }
0x18b: {  	[sflag:s10] =	ssyncset.done $0x0  }
0x18c: {  	[sflag:s10] =	ssyncadd.s32 $0xFFFFC000  }
0x18d: {  	[tilespmem:s13], [sflag:$0x1] =	stream.indirect.gather [hbm4b:s4+s12], $0x80, s21, s12, $0xb8;
	[tilespmem:$0x1D000] =	vst v63  }
0x18e: {  	_ =	swait.ge [sflag:s16], $0x4000  }
0x18f: {  	[sflag:s16] =	ssyncset.done $0x0  }
0x190: {  	[sflag:s16] =	ssyncadd.s32 $0xFFFFC000  }
0x191: {  	[spmem:s2] =	stream.indirect.scatter.add.f32 [tilespmem:s14], [sflag:$0x3], $0x80, s22, s12, $0xb8;
	[tilespmem:$0x1D000] =	vst v63  }
0x192: {  	_ =	swait.ge [sflag:s10], $0x4000  }
0x193: {  	[sflag:s10] =	ssyncset.done $0x0  }
0x194: {  	[sflag:s10] =	ssyncadd.s32 $0xFFFFC000  }
0x195: {  	[tilespmem:s14], [sflag:$0x2] =	stream.indirect.gather [hbm4b:s4+s12], $0x80, s23, s12, $0xb8;
	[tilespmem:$0x1D000] =	vst v63  }
0x196: {  	_ =	swait.ge [sflag:s15], $0x4000  }
0x197: {  	[sflag:s15] =	ssyncset.done $0x0  }
0x198: {  	[sflag:s15] =	ssyncadd.s32 $0xFFFFC000  }
0x199: {  	[spmem:s2] =	stream.indirect.scatter.add.f32 [tilespmem:s13], [sflag:$0x3], $0x80, s24, s12, $0xb8;
	[tilespmem:$0x1D000] =	vst v63  }
0x19a: {  	_ =	swait.ge [sflag:s10], $0x4000  }
0x19b: {  	[sflag:s10] =	ssyncset.done $0x0  }
0x19c: {  	[sflag:s10] =	ssyncadd.s32 $0xFFFFC000  }
0x19d: {  	[tilespmem:s13], [sflag:$0x1] =	stream.indirect.gather [hbm4b:s4+s12], $0x80, s25, s12, $0xb8;
	[tilespmem:$0x1D000] =	vst v63  }
0x19e: {  	_ =	swait.ge [sflag:s16], $0x4000  }
0x19f: {  	[sflag:s16] =	ssyncset.done $0x0  }
0x1a0: {  	[sflag:s16] =	ssyncadd.s32 $0xFFFFC000  }
0x1a1: {  	[spmem:s2] =	stream.indirect.scatter.add.f32 [tilespmem:s14], [sflag:$0x3], $0x80, s26, s12, $0xb8;
	[tilespmem:$0x1D000] =	vst v63  }
0x1a2: {  	_ =	swait.ge [sflag:s10], $0x4000  }
0x1a3: {  	[sflag:s10] =	ssyncset.done $0x0  }
0x1a4: {  	[sflag:s10] =	ssyncadd.s32 $0xFFFFC000  }
0x1a5: {  	[tilespmem:s14], [sflag:$0x2] =	stream.indirect.gather [hbm4b:s4+s12], $0x80, s28, s12, $0xb8;
	[tilespmem:$0x1D000] =	vst v63  }
0x1a6: {  	_ =	swait.ge [sflag:s15], $0x4000  }
0x1a7: {  	[sflag:s15] =	ssyncset.done $0x0  }
0x1a8: {  	[sflag:s15] =	ssyncadd.s32 $0xFFFFC000  }
0x1a9: {  	[spmem:s2] =	stream.indirect.scatter.add.f32 [tilespmem:s13], [sflag:$0x3], $0x80, s29, s12, $0xb8;
	[tilespmem:$0x1D000] =	vst v63  }
0x1aa: {  	_ =	swait.ge [sflag:s10], $0x4000  }
0x1ab: {  	[sflag:s10] =	ssyncset.done $0x0  }
0x1ac: {  	[sflag:s10] =	ssyncadd.s32 $0xFFFFC000  }
0x1ad: {  	[tilespmem:s13], [sflag:$0x1] =	stream.indirect.gather [hbm4b:s4+s12], $0x80, s30, s12, $0xb8;
	[tilespmem:$0x1D000] =	vst v63  }
0x1ae: {  	_ =	swait.ge [sflag:s16], $0x4000  }
0x1af: {  	[sflag:s16] =	ssyncset.done $0x0  }
0x1b0: {  	[sflag:s16] =	ssyncadd.s32 $0xFFFFC000  }
0x1b1: {  	[spmem:s2] =	stream.indirect.scatter.add.f32 [tilespmem:s14], [sflag:$0x3], $0x80, s31, s12, $0xb8;
	[tilespmem:$0x1D000] =	vst v63  }
0x1b2: {  	_ =	swait.ge [sflag:s10], $0x4000  }
0x1b3: {  	[sflag:s10] =	ssyncset.done $0x0  }
0x1b4: {  	[sflag:s10] =	ssyncadd.s32 $0xFFFFC000  }
0x1b5: {  	[tilespmem:s14], [sflag:$0x2] =	stream.indirect.gather [hbm4b:s4+s12], $0x80, s1, s12, $0xb8;
	[tilespmem:$0x1D000] =	vst v63  }
0x1b6: {  	_ =	swait.ge [sflag:s15], $0x4000  }
0x1b7: {  	[sflag:s15] =	ssyncset.done $0x0  }
0x1b8: {  	[sflag:s15] =	ssyncadd.s32 $0xFFFFC000  }
0x1b9: {  	[spmem:s2] =	stream.indirect.scatter.add.f32 [tilespmem:s13], [sflag:$0x3], $0x80, s0, s12, $0xb8;
	[tilespmem:$0x1D000] =	vst v63  }
0x1ba: {  	_ =	swait.ge [sflag:s10], $0x4000  }
0x1bb: {  	[sflag:s10] =	ssyncset.done $0x0  }
0x1bc: {  	[sflag:s10] =	ssyncadd.s32 $0xFFFFC000  }
0x1bd: {  	_ =	swait.ge [sflag:s16], $0x4000  }
0x1be: {  	[sflag:s16] =	ssyncset.done $0x0  }
0x1bf: {  	[sflag:s16] =	ssyncadd.s32 $0xFFFFC000  }
0x1c0: {  	[spmem:s2] =	stream.indirect.scatter.add.f32 [tilespmem:s14], [sflag:$0x3], $0x80, s5, s12, $0xb8;
	[tilespmem:$0x1D000] =	vst v63  }
0x1c1: {  	_ =	swait.ge [sflag:s10], $0x4000  }
0x1c2: {  	[sflag:s10] =	ssyncset.done $0x0  }
0x1c3: {  	[sflag:s10] =	ssyncadd.s32 $0xFFFFC000  }
0x1c4: {  	[bflag:$0x0] =	sbarrier.arrive $0xFFFF  }
0x1c5: {  	s7 =	rddreg [dreg:$0x12]  }
0x1c6: {  	s9 =	rddreg [dreg:$0x13]  }
0x1c7: {  	s8 =	rddreg [dreg:$0x15]  }
0x1c8: {  	[hbm:s9], [sflag:s7] =	dma.local [spmem:s8], $0x2800  }
0x1c9: {  	_ =	swait.ge [sflag:s10], $0x2800  }
0x1ca: {  	s6 =	rddreg [dreg:$0x16]  }
0x1cb: {  	s9 =	sadd.s32 $0x1, s6;
	s6 =	rddreg [dreg:$0x14]  }
0x1cc: {  	p0 =	sne.s32 s9, s6  }
.Ltmp1:
0x1cd: {  	_ = 	snop;
	(pc) =	sbr.rel @p0 .LBB2_1-.Ltmp1, $3  }
0x1ce: {  	_ =	sdelay $0x1  }
0x1cf: {  	[sflag:s10] =	ssyncset.done $0x0  }
0x1d0: {  	[sflag:s10] =	ssyncadd.s32 $0xFFFFD800  }
0x1d1: {  	_ =	sfence.sel $0x180000  }
0x1d2: {  	[bflag:$0x0] =	sbarrier.arrive $0xFFFF  }
0x1d3: {  	_ =	strace $0x90000047  }
0x1d4: {  	s0 =	stileid.u32;
	[bflag:$0x2] =	sbarrier.arrive $0xFFFF  }
0x1d5: {  	p0 =	sne.s32 s0, $0x0;
	s0 =	rddreg [dreg:$0x2]  }
0x1d6: {  	s0 =	sadd.s32 @!p0 $0x100000, s0  }
0x1d7: {  	[sflag:s0] =	ssyncadd.tile.s32 @!p0 $0x1;
	_ =	shalt  }
.Lfunc_end2:
_tile_overlayer_lowered:
.L_overlay_start_2:
0x1d8: {  	(tag) =	ssettag $0x2  }
0x1d9: {  	s0 =	rddreg [dreg:$0x0];
	s2 =	stileid.u32  }
0x1da: {  	s1 =	rddreg [dreg:$0x1];
	p0 =	sne.s32 s2, $0x0  }
0x1db: {  	s3 =	rddreg [dreg:$0x2];
	[bflag:$0x3] =	sbarrier.arrive $0xFFFF;
	s2 =	simm.s32 @!p0 $0x1C03  }
0x1dc: {  	[timem:s3], [sflag:s2] =	dma.local @!p0 [hbm:s0], s1  }
0x1dd: {  	s0 =	simm.s32 @!p0 $0x3  }
0x1de: {  	_ =	swait.ge @!p0 [sflag:s0], s1  }
0x1df: {  	s1 =	ssub.s32 @!p0 $0x0, s1;
	[sflag:s0] =	ssyncset.done @!p0 $0x0  }
0x1e0: {  	[sflag:s0] =	ssyncadd.s32 @!p0 s1  }
0x1e1: {  	[bflag:$0x3] =	sbarrier.arrive $0xFFFF  }
0x1e2: {  	_ =	shalt  }

</sc_bundles>
